<compile_context>
chip_gen: v7x
topology: tpu7x:2x2x1
jax: 0.10.2.dev20260603
libtpu: 0.0.44.dev20260713+nightly
codegen_flags: <defaults>
</compile_context>

<pallas_src>
import functools

import jax
import jax.numpy as jnp
from jax import lax
from jax.experimental import pallas as pl
from jax.experimental.pallas import tpu as pltpu
from jax.experimental.pallas import tpu_sc as plsc

N_NODES = 10000
N_EDGES = 160000
IN_DIM = 32
OUT_DIM = 32
EDGE_FEAT_DIM = 16
PK = 4
FD = EDGE_FEAT_DIM * OUT_DIM

NC = 2
NS = 16
NW = NC * NS
E_PER_W = N_EDGES // NW
CHUNK = 1000
N_CHUNKS = E_PER_W // CHUNK

_sc_mesh = functools.partial(
    plsc.VectorSubcoreMesh, core_axis_name="c", subcore_axis_name="s")
_sc_params = pltpu.CompilerParams(use_tc_tiling_on_sc=False)


@functools.partial(
    pl.kernel,
    mesh=_sc_mesh(),
    out_type=jax.ShapeDtypeStruct((N_EDGES, IN_DIM), jnp.float32),
    scratch_types=[
        pltpu.VMEM((CHUNK,), jnp.int32),
        pltpu.VMEM((CHUNK, IN_DIM), jnp.float32),
        pltpu.SemaphoreType.DMA,
    ],
    compiler_params=_sc_params,
)
def _gather_rows(nf_hbm, src_hbm, out_hbm, idx_v, rows_v, sem):
    wid = lax.axis_index("s") * NC + lax.axis_index("c")
    base = pl.multiple_of(wid * E_PER_W, 8)
    for i in range(N_CHUNKS):
        off = pl.multiple_of(base + i * CHUNK, 8)
        pltpu.sync_copy(src_hbm.at[pl.ds(off, CHUNK)], idx_v)
        pltpu.async_copy(nf_hbm.at[idx_v], rows_v, sem).wait()
        pltpu.sync_copy(rows_v, out_hbm.at[pl.ds(off, CHUNK)])


@functools.partial(
    pl.kernel,
    mesh=_sc_mesh(),
    out_type=[jax.ShapeDtypeStruct((NC, N_NODES, OUT_DIM), jnp.float32),
              jax.ShapeDtypeStruct((NC, N_NODES, OUT_DIM), jnp.float32)],
    scratch_types=[
        pltpu.VMEM((CHUNK,), jnp.int32),
        pltpu.VMEM((CHUNK, OUT_DIM), jnp.float32),
        pltpu.VMEM((CHUNK, OUT_DIM), jnp.float32),
        pltpu.VMEM_SHARED((N_NODES, OUT_DIM), jnp.float32),
        pltpu.VMEM_SHARED((N_NODES, OUT_DIM), jnp.float32),
    ],
    compiler_params=_sc_params,
)
def _scatter_add(msgs_hbm, dst_hbm, zeros_hbm, ones_hbm,
                 sum_hbm, cnt_hbm, idx_v, rows_v, ones_v, acc_sh, cnt_sh):
    cid = lax.axis_index("c")
    sid = lax.axis_index("s")

    pltpu.sync_copy(ones_hbm, ones_v)

    @pl.when(sid == 0)
    def _():
        pltpu.sync_copy(zeros_hbm, acc_sh)

    @pl.when(sid == 1)
    def _():
        pltpu.sync_copy(zeros_hbm, cnt_sh)

    plsc.subcore_barrier()

    wid = sid * NC + cid
    base = pl.multiple_of(wid * E_PER_W, 8)
    for i in range(N_CHUNKS):
        off = pl.multiple_of(base + i * CHUNK, 8)
        pltpu.sync_copy(dst_hbm.at[pl.ds(off, CHUNK)], idx_v)
        pltpu.sync_copy(msgs_hbm.at[pl.ds(off, CHUNK)], rows_v)
        pltpu.sync_copy(rows_v, acc_sh.at[idx_v], add=True)
        pltpu.sync_copy(ones_v, cnt_sh.at[idx_v], add=True)

    plsc.subcore_barrier()

    rows_lo = 640
    r0 = pl.multiple_of(sid * rows_lo, 8)
    last = N_NODES - (NS - 1) * rows_lo

    @pl.when(sid < NS - 1)
    def _():
        pltpu.sync_copy(acc_sh.at[pl.ds(r0, rows_lo)],
                        sum_hbm.at[cid, pl.ds(r0, rows_lo)])
        pltpu.sync_copy(cnt_sh.at[pl.ds(r0, rows_lo)],
                        cnt_hbm.at[cid, pl.ds(r0, rows_lo)])

    @pl.when(sid == NS - 1)
    def _():
        pltpu.sync_copy(acc_sh.at[pl.ds((NS - 1) * rows_lo, last)],
                        sum_hbm.at[cid, pl.ds((NS - 1) * rows_lo, last)])
        pltpu.sync_copy(cnt_sh.at[pl.ds((NS - 1) * rows_lo, last)],
                        cnt_hbm.at[cid, pl.ds((NS - 1) * rows_lo, last)])


BE = 3200
B4 = BE // PK

def _edge_mm_body(ef_ref, x_ref, w_ref, b_ref, r_ref, s_ref, out_ref):
    x = x_ref[...].reshape(B4, PK * IN_DIM)
    p = lax.dot_general(x, w_ref[...], (((1,), (0,)), ((), ())),
                        preferred_element_type=jnp.float32)
    ef_exp = lax.dot_general(ef_ref[...], r_ref[...], (((1,), (0,)), ((), ())),
                             preferred_element_type=jnp.float32)
    q = p * ef_exp
    acc = lax.dot_general(q, s_ref[...], (((1,), (0,)), ((), ())),
                          preferred_element_type=jnp.float32)
    acc = acc + lax.dot_general(x, b_ref[...], (((1,), (0,)), ((), ())),
                                preferred_element_type=jnp.float32)
    out_ref[...] = acc


def _edge_matmul(ef4, x4, w4blk, bblk, r4, s4):
    return pl.pallas_call(
        _edge_mm_body,
        grid=(N_EDGES // BE,),
        in_specs=[
            pl.BlockSpec((B4, PK * EDGE_FEAT_DIM), lambda i: (i, 0)),
            pl.BlockSpec((BE * IN_DIM,), lambda i: (i,)),
            pl.BlockSpec((PK * IN_DIM, PK * FD), lambda i: (0, 0)),
            pl.BlockSpec((PK * IN_DIM, PK * OUT_DIM), lambda i: (0, 0)),
            pl.BlockSpec((PK * EDGE_FEAT_DIM, PK * FD), lambda i: (0, 0)),
            pl.BlockSpec((PK * FD, PK * OUT_DIM), lambda i: (0, 0)),
        ],
        out_specs=pl.BlockSpec((B4, PK * OUT_DIM), lambda i: (i, 0)),
        out_shape=jax.ShapeDtypeStruct((N_EDGES // PK, PK * OUT_DIM), jnp.float32),
    )(ef4, x4, w4blk, bblk, r4, s4)


def _lane_fold(v):
    return (v[:, 0 * OUT_DIM:1 * OUT_DIM] + v[:, 1 * OUT_DIM:2 * OUT_DIM]
            + v[:, 2 * OUT_DIM:3 * OUT_DIM] + v[:, 3 * OUT_DIM:4 * OUT_DIM])


def _finalize_body(s_ref, c_ref, nf_ref, wr_ref, b_ref, g_ref, bt_ref, out_ref):
    summed = s_ref[0] + s_ref[1]
    cnt = c_ref[0] + c_ref[1]
    aggr = summed / jnp.maximum(cnt, 1.0)
    out = aggr + lax.dot_general(nf_ref[...], wr_ref[...],
                                 (((1,), (0,)), ((), ())),
                                 preferred_element_type=jnp.float32) + b_ref[...]
    m32 = _lane_fold(jnp.sum(out, axis=0, keepdims=True)) / N_NODES
    mean = jnp.concatenate([m32] * PK, axis=1)
    d = out - mean
    v32 = _lane_fold(jnp.sum(d * d, axis=0, keepdims=True)) / N_NODES
    var = jnp.concatenate([v32] * PK, axis=1)
    out = d * lax.rsqrt(var + 1e-5) * g_ref[...] + bt_ref[...]
    out_ref[...] = jnp.where(out >= 0, out, 0.01 * out)


def _finalize(sums4, cnts4, nf4, wrblk, bias4, gamma4, beta4):
    return pl.pallas_call(
        _finalize_body,
        out_shape=jax.ShapeDtypeStruct((N_NODES // PK, PK * OUT_DIM), jnp.float32),
    )(sums4, cnts4, nf4, wrblk, bias4, gamma4, beta4)


def kernel(node_feat, edge_feat, edge_index, batch_index,
           num_sampled_nodes_per_hop, num_sampled_edges_per_hop,
           W_edge_net, b_edge_net, W_root, bias, bn_gamma, bn_beta):
    src = edge_index[0].astype(jnp.int32)
    dst = edge_index[1].astype(jnp.int32)
    w4 = W_edge_net.reshape(EDGE_FEAT_DIM, IN_DIM, OUT_DIM).transpose(1, 0, 2) \
                   .reshape(IN_DIM, FD)
    bmat = b_edge_net.reshape(IN_DIM, OUT_DIM)
    f_ids = jnp.arange(FD, dtype=jnp.int32) // OUT_DIM
    rmat = (f_ids[None, :] == jnp.arange(EDGE_FEAT_DIM, dtype=jnp.int32)[:, None]
            ).astype(jnp.float32)
    o_ids = jnp.arange(FD, dtype=jnp.int32) % OUT_DIM
    smat = (o_ids[:, None] == jnp.arange(OUT_DIM, dtype=jnp.int32)[None, :]
            ).astype(jnp.float32)
    eye4 = jnp.eye(PK, dtype=jnp.float32)
    w4blk = jnp.kron(eye4, w4)
    bblk = jnp.kron(eye4, bmat)
    r4 = jnp.kron(eye4, rmat)
    s4 = jnp.kron(eye4, smat)

    zeros = jnp.zeros((N_NODES, OUT_DIM), jnp.float32)
    ones = jnp.ones((CHUNK, OUT_DIM), jnp.float32)

    x_src = _gather_rows(node_feat, src)
    x4 = x_src.reshape(-1)
    ef4 = edge_feat.reshape(N_EDGES // PK, PK * EDGE_FEAT_DIM)
    msgs4 = _edge_matmul(ef4, x4, w4blk, bblk, r4, s4)
    msgs = msgs4.reshape(N_EDGES, OUT_DIM)
    sums, cnts = _scatter_add(msgs, dst, zeros, ones)
    sums4 = sums.reshape(-1).reshape(NC, N_NODES // PK, PK * OUT_DIM)
    cnts4 = cnts.reshape(-1).reshape(NC, N_NODES // PK, PK * OUT_DIM)
    nf4 = node_feat.reshape(N_NODES // PK, PK * IN_DIM)
    wrblk = jnp.kron(eye4, W_root)
    bias4 = jnp.tile(bias.reshape(1, OUT_DIM), (1, PK))
    gamma4 = jnp.tile(bn_gamma.reshape(1, OUT_DIM), (1, PK))
    beta4 = jnp.tile(bn_beta.reshape(1, OUT_DIM), (1, PK))
    out4 = _finalize(sums4, cnts4, nf4, wrblk, bias4, gamma4, beta4)
    out = out4.reshape(N_NODES, OUT_DIM)
    return (out, edge_index, edge_feat)

# --- scband reference (transcript-rebuilt; emitter-appended) ---
"""Pipeline reference for scband-nnconv-basic-layer-55430847922651 (READ-ONLY COPY).

The authoritative reference and input builder live on the scoring server;
editing this copy changes nothing except your own understanding.
"""

import jax, jax.numpy as jnp
import numpy as np

N_NODES = 10000
N_EDGES = 160000
IN_DIM = 32
OUT_DIM = 32
EDGE_FEAT_DIM = 16


def setup_inputs(seed: int = 0) -> dict:
    key = jax.random.key(seed)
    ks = jax.random.split(key, 10)
    node_feat = jax.random.normal(ks[0], (N_NODES, IN_DIM), dtype=jnp.float32)
    edge_feat = jax.random.normal(ks[1], (N_EDGES, EDGE_FEAT_DIM), dtype=jnp.float32)
    edge_index = jax.random.randint(ks[2], (2, N_EDGES), 0, N_NODES).astype(jnp.int64)
    batch_index = jnp.sort(jax.random.randint(ks[3], (N_NODES,), 0, 64)).astype(jnp.int64)
    num_sampled_nodes_per_hop = jnp.ones((1,), dtype=jnp.int64)
    num_sampled_edges_per_hop = jnp.ones((1,), dtype=jnp.int64)
    # edge_net: Linear(edge_feat_dim, in_dim*out_dim)
    W_edge_net = jax.random.normal(ks[4], (EDGE_FEAT_DIM, IN_DIM * OUT_DIM), dtype=jnp.float32) / np.sqrt(EDGE_FEAT_DIM)
    b_edge_net = jnp.zeros((IN_DIM * OUT_DIM,), dtype=jnp.float32)
    # NNConv root weight (Linear(in_dim, out_dim, bias=False)) + conv bias
    W_root = jax.random.normal(ks[5], (IN_DIM, OUT_DIM), dtype=jnp.float32) / np.sqrt(IN_DIM)
    bias = jnp.zeros((OUT_DIM,), dtype=jnp.float32)
    # BatchNorm1d(out_dim) affine params
    bn_gamma = jnp.ones((OUT_DIM,), dtype=jnp.float32)
    bn_beta = jnp.zeros((OUT_DIM,), dtype=jnp.float32)
    return {
        'node_feat': node_feat,
        'edge_feat': edge_feat,
        'edge_index': edge_index,
        'batch_index': batch_index,
        'num_sampled_nodes_per_hop': num_sampled_nodes_per_hop,
        'num_sampled_edges_per_hop': num_sampled_edges_per_hop,
        'W_edge_net': W_edge_net,
        'b_edge_net': b_edge_net,
        'W_root': W_root,
        'bias': bias,
        'bn_gamma': bn_gamma,
        'bn_beta': bn_beta,
    }


def reference(node_feat, edge_feat, edge_index, batch_index,
              num_sampled_nodes_per_hop, num_sampled_edges_per_hop,
              W_edge_net, b_edge_net, W_root, bias, bn_gamma, bn_beta):
    src = edge_index[0]
    dst = edge_index[1]
    # NNConv: per-edge weight matrix from edge features
    W_e = (edge_feat @ W_edge_net + b_edge_net).reshape(-1, IN_DIM, OUT_DIM)
    x_j = jnp.take(node_feat, src, axis=0)  # gather source node features [E, in_dim]
    msgs = jnp.einsum('ei,eio->eo', x_j, W_e)  # [E, out_dim]
    # aggr='mean': scatter-add messages to dst, divide by in-degree
    summed = jax.ops.segment_sum(msgs, dst, num_segments=N_NODES)
    counts = jax.ops.segment_sum(jnp.ones((N_EDGES,), dtype=msgs.dtype), dst, num_segments=N_NODES)
    aggr = summed / jnp.clip(counts, 1.0)[:, None]
    # root_weight=True: + x @ W_root, plus bias
    out = aggr + node_feat @ W_root + bias
    # batch_norm (train-mode batch statistics, eps=1e-5, biased variance)
    mean = jnp.mean(out, axis=0)
    var = jnp.mean((out - mean) ** 2, axis=0)
    out = (out - mean) / jnp.sqrt(var + 1e-5) * bn_gamma + bn_beta
    # leaky_relu (default negative_slope=0.01)
    out = jnp.where(out >= 0, out, 0.01 * out)
    # dp=0.0, dense=False, residual=False -> no-ops
    return (out, edge_index, edge_feat)

if __name__ == "__main__":
    import jax
    _d = setup_inputs()
    print(jax.jit(kernel)(*tuple(_d.values())))

</pallas_src>

<mosaic_0001>
#map = affine_map<(d0, d1) -> (0, 0)>
#map1 = affine_map<(d0, d1) -> (0)>
module attributes {stable_mosaic.version = 14 : i64} {
  func.func @_gather_rows(%arg0: i32, %arg1: i32, %arg2: memref<10000x32xf32, #tpu.memory_space<hbm>>, %arg3: memref<160000xi32, #tpu.memory_space<hbm>>, %arg4: memref<160000x32xf32, #tpu.memory_space<hbm>>, %arg5: memref<1000xi32, #tpu.memory_space<vmem>>, %arg6: memref<1000x32xf32, #tpu.memory_space<vmem>>, %arg7: memref<!tpu.dma_semaphore, #tpu.memory_space<semaphore_mem>>) attributes {dimension_semantics = [#tpu.dimension_semantics<core_parallel>, #tpu.dimension_semantics<subcore_parallel>], iteration_bounds = array<i64: 2, 16>, scalar_prefetch = 0 : i64, scratch_operands = 3 : i64, tpu.core_type = #tpu.core_type<sc_vector_subcore>, window_params = [{transform_indices = #map}, {transform_indices = #map1}, {transform_indices = #map}]} {
    %mul3A = arith.constant 2 : i32
    %mul3A_0 = arith.muli %arg1, %mul3A : i32
    %add3A = arith.addi %mul3A_0, %arg0 : i32
    %mul3A_1 = arith.constant 5000 : i32
    %mul3A_2 = arith.muli %add3A, %mul3A_1 : i32
    %multiple_of3A = tpu.assume_multiple %mul3A_2, 8 : i32
    %add3A_3 = arith.constant 0 : i32
    %add3A_4 = arith.addi %multiple_of3A, %add3A_3 : i32
    %multiple_of3A_5 = tpu.assume_multiple %add3A_4, 8 : i32
    "tpu.region"() ({
      %run_scoped3A = tpu.sem_alloc : memref<!tpu.dma_semaphore, #tpu.memory_space<semaphore_mem>>
      %dma_start3A_46 = tpu.memref_slice %arg3[%multiple_of3A_5] : memref<160000xi32, #tpu.memory_space<hbm>> -> memref<1000xi32, #tpu.memory_space<hbm>>
      %dma_start3A_47 = tpu.memref_slice %arg3[%multiple_of3A_5] : memref<160000xi32, #tpu.memory_space<hbm>> -> memref<1000xi32, #tpu.memory_space<hbm>>
      tpu.enqueue_dma source(%dma_start3A_47 : memref<1000xi32, #tpu.memory_space<hbm>>) target(%arg5 : memref<1000xi32, #tpu.memory_space<vmem>>) target_semaphore(%run_scoped3A : memref<!tpu.dma_semaphore, #tpu.memory_space<semaphore_mem>>)
      %dma_wait3A_48 = tpu.memref_slice %arg3[%multiple_of3A_5] : memref<160000xi32, #tpu.memory_space<hbm>> -> memref<1000xi32, #tpu.memory_space<hbm>>
      %dma_wait3A_49 = tpu.memref_slice %arg3[%multiple_of3A_5] : memref<160000xi32, #tpu.memory_space<hbm>> -> memref<1000xi32, #tpu.memory_space<hbm>>
      tpu.wait_dma2 semaphore(%run_scoped3A : memref<!tpu.dma_semaphore, #tpu.memory_space<semaphore_mem>>) src(%dma_wait3A_49 : memref<1000xi32, #tpu.memory_space<hbm>>) dst(%arg5 : memref<1000xi32, #tpu.memory_space<vmem>>)
      tpu.yield
    }) : () -> ()
    %dma_start3A = arith.constant 0 : i32
    %dma_start3A_6 = arith.constant 0 : i32
    %dma_start3A_7 = tpu.memref_slice %arg2[%dma_start3A, %dma_start3A_6] : memref<10000x32xf32, #tpu.memory_space<hbm>> -> memref<10000x32xf32, #tpu.memory_space<hbm>>
    tpu.enqueue_indirect_dma source(%dma_start3A_7 : memref<10000x32xf32, #tpu.memory_space<hbm>>) target(%arg6 : memref<1000x32xf32, #tpu.memory_space<vmem>>) offsets(%arg5 : memref<1000xi32, #tpu.memory_space<vmem>>) semaphore(%arg7 : memref<!tpu.dma_semaphore, #tpu.memory_space<semaphore_mem>>)
    %dma_wait3A = arith.constant 0 : i32
    %dma_wait3A_8 = arith.constant 0 : i32
    %dma_wait3A_9 = tpu.memref_slice %arg2[%dma_wait3A, %dma_wait3A_8] : memref<10000x32xf32, #tpu.memory_space<hbm>> -> memref<10000x32xf32, #tpu.memory_space<hbm>>
    tpu.wait_indirect_dma semaphore(%arg7 : memref<!tpu.dma_semaphore, #tpu.memory_space<semaphore_mem>>) src(%dma_wait3A_9 : memref<10000x32xf32, #tpu.memory_space<hbm>>) dst(%arg6 : memref<1000x32xf32, #tpu.memory_space<vmem>>)
    "tpu.region"() ({
      %run_scoped3A = tpu.sem_alloc : memref<!tpu.dma_semaphore, #tpu.memory_space<semaphore_mem>>
      %dma_start3A_46 = arith.constant 0 : i32
      %dma_start3A_47 = tpu.memref_slice %arg4[%multiple_of3A_5, %dma_start3A_46] : memref<160000x32xf32, #tpu.memory_space<hbm>> -> memref<1000x32xf32, #tpu.memory_space<hbm>>
      %dma_start3A_48 = arith.constant 0 : i32
      %dma_start3A_49 = tpu.memref_slice %arg4[%multiple_of3A_5, %dma_start3A_48] : memref<160000x32xf32, #tpu.memory_space<hbm>> -> memref<1000x32xf32, #tpu.memory_space<hbm>>
      tpu.enqueue_dma source(%arg6 : memref<1000x32xf32, #tpu.memory_space<vmem>>) target(%dma_start3A_49 : memref<1000x32xf32, #tpu.memory_space<hbm>>) target_semaphore(%run_scoped3A : memref<!tpu.dma_semaphore, #tpu.memory_space<semaphore_mem>>)
      %dma_wait3A_50 = arith.constant 0 : i32
      %dma_wait3A_51 = tpu.memref_slice %arg4[%multiple_of3A_5, %dma_wait3A_50] : memref<160000x32xf32, #tpu.memory_space<hbm>> -> memref<1000x32xf32, #tpu.memory_space<hbm>>
      %dma_wait3A_52 = arith.constant 0 : i32
      %dma_wait3A_53 = tpu.memref_slice %arg4[%multiple_of3A_5, %dma_wait3A_52] : memref<160000x32xf32, #tpu.memory_space<hbm>> -> memref<1000x32xf32, #tpu.memory_space<hbm>>
      tpu.wait_dma2 semaphore(%run_scoped3A : memref<!tpu.dma_semaphore, #tpu.memory_space<semaphore_mem>>) src(%arg6 : memref<1000x32xf32, #tpu.memory_space<vmem>>) dst(%dma_wait3A_53 : memref<1000x32xf32, #tpu.memory_space<hbm>>)
      tpu.yield
    }) : () -> ()
    %add3A_10 = arith.constant 1000 : i32
    %add3A_11 = arith.addi %multiple_of3A, %add3A_10 : i32
    %multiple_of3A_12 = tpu.assume_multiple %add3A_11, 8 : i32
    "tpu.region"() ({
      %run_scoped3A = tpu.sem_alloc : memref<!tpu.dma_semaphore, #tpu.memory_space<semaphore_mem>>
      %dma_start3A_46 = tpu.memref_slice %arg3[%multiple_of3A_12] : memref<160000xi32, #tpu.memory_space<hbm>> -> memref<1000xi32, #tpu.memory_space<hbm>>
      %dma_start3A_47 = tpu.memref_slice %arg3[%multiple_of3A_12] : memref<160000xi32, #tpu.memory_space<hbm>> -> memref<1000xi32, #tpu.memory_space<hbm>>
      tpu.enqueue_dma source(%dma_start3A_47 : memref<1000xi32, #tpu.memory_space<hbm>>) target(%arg5 : memref<1000xi32, #tpu.memory_space<vmem>>) target_semaphore(%run_scoped3A : memref<!tpu.dma_semaphore, #tpu.memory_space<semaphore_mem>>)
      %dma_wait3A_48 = tpu.memref_slice %arg3[%multiple_of3A_12] : memref<160000xi32, #tpu.memory_space<hbm>> -> memref<1000xi32, #tpu.memory_space<hbm>>
      %dma_wait3A_49 = tpu.memref_slice %arg3[%multiple_of3A_12] : memref<160000xi32, #tpu.memory_space<hbm>> -> memref<1000xi32, #tpu.memory_space<hbm>>
      tpu.wait_dma2 semaphore(%run_scoped3A : memref<!tpu.dma_semaphore, #tpu.memory_space<semaphore_mem>>) src(%dma_wait3A_49 : memref<1000xi32, #tpu.memory_space<hbm>>) dst(%arg5 : memref<1000xi32, #tpu.memory_space<vmem>>)
      tpu.yield
    }) : () -> ()
    %dma_start3A_13 = arith.constant 0 : i32
    %dma_start3A_14 = arith.constant 0 : i32
    %dma_start3A_15 = tpu.memref_slice %arg2[%dma_start3A_13, %dma_start3A_14] : memref<10000x32xf32, #tpu.memory_space<hbm>> -> memref<10000x32xf32, #tpu.memory_space<hbm>>
    tpu.enqueue_indirect_dma source(%dma_start3A_15 : memref<10000x32xf32, #tpu.memory_space<hbm>>) target(%arg6 : memref<1000x32xf32, #tpu.memory_space<vmem>>) offsets(%arg5 : memref<1000xi32, #tpu.memory_space<vmem>>) semaphore(%arg7 : memref<!tpu.dma_semaphore, #tpu.memory_space<semaphore_mem>>)
    %dma_wait3A_16 = arith.constant 0 : i32
    %dma_wait3A_17 = arith.constant 0 : i32
    %dma_wait3A_18 = tpu.memref_slice %arg2[%dma_wait3A_16, %dma_wait3A_17] : memref<10000x32xf32, #tpu.memory_space<hbm>> -> memref<10000x32xf32, #tpu.memory_space<hbm>>
    tpu.wait_indirect_dma semaphore(%arg7 : memref<!tpu.dma_semaphore, #tpu.memory_space<semaphore_mem>>) src(%dma_wait3A_18 : memref<10000x32xf32, #tpu.memory_space<hbm>>) dst(%arg6 : memref<1000x32xf32, #tpu.memory_space<vmem>>)
    "tpu.region"() ({
      %run_scoped3A = tpu.sem_alloc : memref<!tpu.dma_semaphore, #tpu.memory_space<semaphore_mem>>
      %dma_start3A_46 = arith.constant 0 : i32
      %dma_start3A_47 = tpu.memref_slice %arg4[%multiple_of3A_12, %dma_start3A_46] : memref<160000x32xf32, #tpu.memory_space<hbm>> -> memref<1000x32xf32, #tpu.memory_space<hbm>>
      %dma_start3A_48 = arith.constant 0 : i32
      %dma_start3A_49 = tpu.memref_slice %arg4[%multiple_of3A_12, %dma_start3A_48] : memref<160000x32xf32, #tpu.memory_space<hbm>> -> memref<1000x32xf32, #tpu.memory_space<hbm>>
      tpu.enqueue_dma source(%arg6 : memref<1000x32xf32, #tpu.memory_space<vmem>>) target(%dma_start3A_49 : memref<1000x32xf32, #tpu.memory_space<hbm>>) target_semaphore(%run_scoped3A : memref<!tpu.dma_semaphore, #tpu.memory_space<semaphore_mem>>)
      %dma_wait3A_50 = arith.constant 0 : i32
      %dma_wait3A_51 = tpu.memref_slice %arg4[%multiple_of3A_12, %dma_wait3A_50] : memref<160000x32xf32, #tpu.memory_space<hbm>> -> memref<1000x32xf32, #tpu.memory_space<hbm>>
      %dma_wait3A_52 = arith.constant 0 : i32
      %dma_wait3A_53 = tpu.memref_slice %arg4[%multiple_of3A_12, %dma_wait3A_52] : memref<160000x32xf32, #tpu.memory_space<hbm>> -> memref<1000x32xf32, #tpu.memory_space<hbm>>
      tpu.wait_dma2 semaphore(%run_scoped3A : memref<!tpu.dma_semaphore, #tpu.memory_space<semaphore_mem>>) src(%arg6 : memref<1000x32xf32, #tpu.memory_space<vmem>>) dst(%dma_wait3A_53 : memref<1000x32xf32, #tpu.memory_space<hbm>>)
      tpu.yield
    }) : () -> ()
    %add3A_19 = arith.constant 2000 : i32
    %add3A_20 = arith.addi %multiple_of3A, %add3A_19 : i32
    %multiple_of3A_21 = tpu.assume_multiple %add3A_20, 8 : i32
    "tpu.region"() ({
      %run_scoped3A = tpu.sem_alloc : memref<!tpu.dma_semaphore, #tpu.memory_space<semaphore_mem>>
      %dma_start3A_46 = tpu.memref_slice %arg3[%multiple_of3A_21] : memref<160000xi32, #tpu.memory_space<hbm>> -> memref<1000xi32, #tpu.memory_space<hbm>>
      %dma_start3A_47 = tpu.memref_slice %arg3[%multiple_of3A_21] : memref<160000xi32, #tpu.memory_space<hbm>> -> memref<1000xi32, #tpu.memory_space<hbm>>
      tpu.enqueue_dma source(%dma_start3A_47 : memref<1000xi32, #tpu.memory_space<hbm>>) target(%arg5 : memref<1000xi32, #tpu.memory_space<vmem>>) target_semaphore(%run_scoped3A : memref<!tpu.dma_semaphore, #tpu.memory_space<semaphore_mem>>)
      %dma_wait3A_48 = tpu.memref_slice %arg3[%multiple_of3A_21] : memref<160000xi32, #tpu.memory_space<hbm>> -> memref<1000xi32, #tpu.memory_space<hbm>>
      %dma_wait3A_49 = tpu.memref_slice %arg3[%multiple_of3A_21] : memref<160000xi32, #tpu.memory_space<hbm>> -> memref<1000xi32, #tpu.memory_space<hbm>>
      tpu.wait_dma2 semaphore(%run_scoped3A : memref<!tpu.dma_semaphore, #tpu.memory_space<semaphore_mem>>) src(%dma_wait3A_49 : memref<1000xi32, #tpu.memory_space<hbm>>) dst(%arg5 : memref<1000xi32, #tpu.memory_space<vmem>>)
      tpu.yield
    }) : () -> ()
    %dma_start3A_22 = arith.constant 0 : i32
    %dma_start3A_23 = arith.constant 0 : i32
    %dma_start3A_24 = tpu.memref_slice %arg2[%dma_start3A_22, %dma_start3A_23] : memref<10000x32xf32, #tpu.memory_space<hbm>> -> memref<10000x32xf32, #tpu.memory_space<hbm>>
    tpu.enqueue_indirect_dma source(%dma_start3A_24 : memref<10000x32xf32, #tpu.memory_space<hbm>>) target(%arg6 : memref<1000x32xf32, #tpu.memory_space<vmem>>) offsets(%arg5 : memref<1000xi32, #tpu.memory_space<vmem>>) semaphore(%arg7 : memref<!tpu.dma_semaphore, #tpu.memory_space<semaphore_mem>>)
    %dma_wait3A_25 = arith.constant 0 : i32
    %dma_wait3A_26 = arith.constant 0 : i32
    %dma_wait3A_27 = tpu.memref_slice %arg2[%dma_wait3A_25, %dma_wait3A_26] : memref<10000x32xf32, #tpu.memory_space<hbm>> -> memref<10000x32xf32, #tpu.memory_space<hbm>>
    tpu.wait_indirect_dma semaphore(%arg7 : memref<!tpu.dma_semaphore, #tpu.memory_space<semaphore_mem>>) src(%dma_wait3A_27 : memref<10000x32xf32, #tpu.memory_space<hbm>>) dst(%arg6 : memref<1000x32xf32, #tpu.memory_space<vmem>>)
    "tpu.region"() ({
      %run_scoped3A = tpu.sem_alloc : memref<!tpu.dma_semaphore, #tpu.memory_space<semaphore_mem>>
      %dma_start3A_46 = arith.constant 0 : i32
      %dma_start3A_47 = tpu.memref_slice %arg4[%multiple_of3A_21, %dma_start3A_46] : memref<160000x32xf32, #tpu.memory_space<hbm>> -> memref<1000x32xf32, #tpu.memory_space<hbm>>
      %dma_start3A_48 = arith.constant 0 : i32
      %dma_start3A_49 = tpu.memref_slice %arg4[%multiple_of3A_21, %dma_start3A_48] : memref<160000x32xf32, #tpu.memory_space<hbm>> -> memref<1000x32xf32, #tpu.memory_space<hbm>>
      tpu.enqueue_dma source(%arg6 : memref<1000x32xf32, #tpu.memory_space<vmem>>) target(%dma_start3A_49 : memref<1000x32xf32, #tpu.memory_space<hbm>>) target_semaphore(%run_scoped3A : memref<!tpu.dma_semaphore, #tpu.memory_space<semaphore_mem>>)
      %dma_wait3A_50 = arith.constant 0 : i32
      %dma_wait3A_51 = tpu.memref_slice %arg4[%multiple_of3A_21, %dma_wait3A_50] : memref<160000x32xf32, #tpu.memory_space<hbm>> -> memref<1000x32xf32, #tpu.memory_space<hbm>>
      %dma_wait3A_52 = arith.constant 0 : i32
      %dma_wait3A_53 = tpu.memref_slice %arg4[%multiple_of3A_21, %dma_wait3A_52] : memref<160000x32xf32, #tpu.memory_space<hbm>> -> memref<1000x32xf32, #tpu.memory_space<hbm>>
      tpu.wait_dma2 semaphore(%run_scoped3A : memref<!tpu.dma_semaphore, #tpu.memory_space<semaphore_mem>>) src(%arg6 : memref<1000x32xf32, #tpu.memory_space<vmem>>) dst(%dma_wait3A_53 : memref<1000x32xf32, #tpu.memory_space<hbm>>)
      tpu.yield
    }) : () -> ()
    %add3A_28 = arith.constant 3000 : i32
    %add3A_29 = arith.addi %multiple_of3A, %add3A_28 : i32
    %multiple_of3A_30 = tpu.assume_multiple %add3A_29, 8 : i32
    "tpu.region"() ({
      %run_scoped3A = tpu.sem_alloc : memref<!tpu.dma_semaphore, #tpu.memory_space<semaphore_mem>>
      %dma_start3A_46 = tpu.memref_slice %arg3[%multiple_of3A_30] : memref<160000xi32, #tpu.memory_space<hbm>> -> memref<1000xi32, #tpu.memory_space<hbm>>
      %dma_start3A_47 = tpu.memref_slice %arg3[%multiple_of3A_30] : memref<160000xi32, #tpu.memory_space<hbm>> -> memref<1000xi32, #tpu.memory_space<hbm>>
      tpu.enqueue_dma source(%dma_start3A_47 : memref<1000xi32, #tpu.memory_space<hbm>>) target(%arg5 : memref<1000xi32, #tpu.memory_space<vmem>>) target_semaphore(%run_scoped3A : memref<!tpu.dma_semaphore, #tpu.memory_space<semaphore_mem>>)
      %dma_wait3A_48 = tpu.memref_slice %arg3[%multiple_of3A_30] : memref<160000xi32, #tpu.memory_space<hbm>> -> memref<1000xi32, #tpu.memory_space<hbm>>
      %dma_wait3A_49 = tpu.memref_slice %arg3[%multiple_of3A_30] : memref<160000xi32, #tpu.memory_space<hbm>> -> memref<1000xi32, #tpu.memory_space<hbm>>
      tpu.wait_dma2 semaphore(%run_scoped3A : memref<!tpu.dma_semaphore, #tpu.memory_space<semaphore_mem>>) src(%dma_wait3A_49 : memref<1000xi32, #tpu.memory_space<hbm>>) dst(%arg5 : memref<1000xi32, #tpu.memory_space<vmem>>)
      tpu.yield
    }) : () -> ()
    %dma_start3A_31 = arith.constant 0 : i32
    %dma_start3A_32 = arith.constant 0 : i32
    %dma_start3A_33 = tpu.memref_slice %arg2[%dma_start3A_31, %dma_start3A_32] : memref<10000x32xf32, #tpu.memory_space<hbm>> -> memref<10000x32xf32, #tpu.memory_space<hbm>>
    tpu.enqueue_indirect_dma source(%dma_start3A_33 : memref<10000x32xf32, #tpu.memory_space<hbm>>) target(%arg6 : memref<1000x32xf32, #tpu.memory_space<vmem>>) offsets(%arg5 : memref<1000xi32, #tpu.memory_space<vmem>>) semaphore(%arg7 : memref<!tpu.dma_semaphore, #tpu.memory_space<semaphore_mem>>)
    %dma_wait3A_34 = arith.constant 0 : i32
    %dma_wait3A_35 = arith.constant 0 : i32
    %dma_wait3A_36 = tpu.memref_slice %arg2[%dma_wait3A_34, %dma_wait3A_35] : memref<10000x32xf32, #tpu.memory_space<hbm>> -> memref<10000x32xf32, #tpu.memory_space<hbm>>
    tpu.wait_indirect_dma semaphore(%arg7 : memref<!tpu.dma_semaphore, #tpu.memory_space<semaphore_mem>>) src(%dma_wait3A_36 : memref<10000x32xf32, #tpu.memory_space<hbm>>) dst(%arg6 : memref<1000x32xf32, #tpu.memory_space<vmem>>)
    "tpu.region"() ({
      %run_scoped3A = tpu.sem_alloc : memref<!tpu.dma_semaphore, #tpu.memory_space<semaphore_mem>>
      %dma_start3A_46 = arith.constant 0 : i32
      %dma_start3A_47 = tpu.memref_slice %arg4[%multiple_of3A_30, %dma_start3A_46] : memref<160000x32xf32, #tpu.memory_space<hbm>> -> memref<1000x32xf32, #tpu.memory_space<hbm>>
      %dma_start3A_48 = arith.constant 0 : i32
      %dma_start3A_49 = tpu.memref_slice %arg4[%multiple_of3A_30, %dma_start3A_48] : memref<160000x32xf32, #tpu.memory_space<hbm>> -> memref<1000x32xf32, #tpu.memory_space<hbm>>
      tpu.enqueue_dma source(%arg6 : memref<1000x32xf32, #tpu.memory_space<vmem>>) target(%dma_start3A_49 : memref<1000x32xf32, #tpu.memory_space<hbm>>) target_semaphore(%run_scoped3A : memref<!tpu.dma_semaphore, #tpu.memory_space<semaphore_mem>>)
      %dma_wait3A_50 = arith.constant 0 : i32
      %dma_wait3A_51 = tpu.memref_slice %arg4[%multiple_of3A_30, %dma_wait3A_50] : memref<160000x32xf32, #tpu.memory_space<hbm>> -> memref<1000x32xf32, #tpu.memory_space<hbm>>
      %dma_wait3A_52 = arith.constant 0 : i32
      %dma_wait3A_53 = tpu.memref_slice %arg4[%multiple_of3A_30, %dma_wait3A_52] : memref<160000x32xf32, #tpu.memory_space<hbm>> -> memref<1000x32xf32, #tpu.memory_space<hbm>>
      tpu.wait_dma2 semaphore(%run_scoped3A : memref<!tpu.dma_semaphore, #tpu.memory_space<semaphore_mem>>) src(%arg6 : memref<1000x32xf32, #tpu.memory_space<vmem>>) dst(%dma_wait3A_53 : memref<1000x32xf32, #tpu.memory_space<hbm>>)
      tpu.yield
    }) : () -> ()
    %add3A_37 = arith.constant 4000 : i32
    %add3A_38 = arith.addi %multiple_of3A, %add3A_37 : i32
    %multiple_of3A_39 = tpu.assume_multiple %add3A_38, 8 : i32
    "tpu.region"() ({
      %run_scoped3A = tpu.sem_alloc : memref<!tpu.dma_semaphore, #tpu.memory_space<semaphore_mem>>
      %dma_start3A_46 = tpu.memref_slice %arg3[%multiple_of3A_39] : memref<160000xi32, #tpu.memory_space<hbm>> -> memref<1000xi32, #tpu.memory_space<hbm>>
      %dma_start3A_47 = tpu.memref_slice %arg3[%multiple_of3A_39] : memref<160000xi32, #tpu.memory_space<hbm>> -> memref<1000xi32, #tpu.memory_space<hbm>>
      tpu.enqueue_dma source(%dma_start3A_47 : memref<1000xi32, #tpu.memory_space<hbm>>) target(%arg5 : memref<1000xi32, #tpu.memory_space<vmem>>) target_semaphore(%run_scoped3A : memref<!tpu.dma_semaphore, #tpu.memory_space<semaphore_mem>>)
      %dma_wait3A_48 = tpu.memref_slice %arg3[%multiple_of3A_39] : memref<160000xi32, #tpu.memory_space<hbm>> -> memref<1000xi32, #tpu.memory_space<hbm>>
      %dma_wait3A_49 = tpu.memref_slice %arg3[%multiple_of3A_39] : memref<160000xi32, #tpu.memory_space<hbm>> -> memref<1000xi32, #tpu.memory_space<hbm>>
      tpu.wait_dma2 semaphore(%run_scoped3A : memref<!tpu.dma_semaphore, #tpu.memory_space<semaphore_mem>>) src(%dma_wait3A_49 : memref<1000xi32, #tpu.memory_space<hbm>>) dst(%arg5 : memref<1000xi32, #tpu.memory_space<vmem>>)
      tpu.yield
    }) : () -> ()
    %dma_start3A_40 = arith.constant 0 : i32
    %dma_start3A_41 = arith.constant 0 : i32
    %dma_start3A_42 = tpu.memref_slice %arg2[%dma_start3A_40, %dma_start3A_41] : memref<10000x32xf32, #tpu.memory_space<hbm>> -> memref<10000x32xf32, #tpu.memory_space<hbm>>
    tpu.enqueue_indirect_dma source(%dma_start3A_42 : memref<10000x32xf32, #tpu.memory_space<hbm>>) target(%arg6 : memref<1000x32xf32, #tpu.memory_space<vmem>>) offsets(%arg5 : memref<1000xi32, #tpu.memory_space<vmem>>) semaphore(%arg7 : memref<!tpu.dma_semaphore, #tpu.memory_space<semaphore_mem>>)
    %dma_wait3A_43 = arith.constant 0 : i32
    %dma_wait3A_44 = arith.constant 0 : i32
    %dma_wait3A_45 = tpu.memref_slice %arg2[%dma_wait3A_43, %dma_wait3A_44] : memref<10000x32xf32, #tpu.memory_space<hbm>> -> memref<10000x32xf32, #tpu.memory_space<hbm>>
    tpu.wait_indirect_dma semaphore(%arg7 : memref<!tpu.dma_semaphore, #tpu.memory_space<semaphore_mem>>) src(%dma_wait3A_45 : memref<10000x32xf32, #tpu.memory_space<hbm>>) dst(%arg6 : memref<1000x32xf32, #tpu.memory_space<vmem>>)
    "tpu.region"() ({
      %run_scoped3A = tpu.sem_alloc : memref<!tpu.dma_semaphore, #tpu.memory_space<semaphore_mem>>
      %dma_start3A_46 = arith.constant 0 : i32
      %dma_start3A_47 = tpu.memref_slice %arg4[%multiple_of3A_39, %dma_start3A_46] : memref<160000x32xf32, #tpu.memory_space<hbm>> -> memref<1000x32xf32, #tpu.memory_space<hbm>>
      %dma_start3A_48 = arith.constant 0 : i32
      %dma_start3A_49 = tpu.memref_slice %arg4[%multiple_of3A_39, %dma_start3A_48] : memref<160000x32xf32, #tpu.memory_space<hbm>> -> memref<1000x32xf32, #tpu.memory_space<hbm>>
      tpu.enqueue_dma source(%arg6 : memref<1000x32xf32, #tpu.memory_space<vmem>>) target(%dma_start3A_49 : memref<1000x32xf32, #tpu.memory_space<hbm>>) target_semaphore(%run_scoped3A : memref<!tpu.dma_semaphore, #tpu.memory_space<semaphore_mem>>)
      %dma_wait3A_50 = arith.constant 0 : i32
      %dma_wait3A_51 = tpu.memref_slice %arg4[%multiple_of3A_39, %dma_wait3A_50] : memref<160000x32xf32, #tpu.memory_space<hbm>> -> memref<1000x32xf32, #tpu.memory_space<hbm>>
      %dma_wait3A_52 = arith.constant 0 : i32
      %dma_wait3A_53 = tpu.memref_slice %arg4[%multiple_of3A_39, %dma_wait3A_52] : memref<160000x32xf32, #tpu.memory_space<hbm>> -> memref<1000x32xf32, #tpu.memory_space<hbm>>
      tpu.wait_dma2 semaphore(%run_scoped3A : memref<!tpu.dma_semaphore, #tpu.memory_space<semaphore_mem>>) src(%arg6 : memref<1000x32xf32, #tpu.memory_space<vmem>>) dst(%dma_wait3A_53 : memref<1000x32xf32, #tpu.memory_space<hbm>>)
      tpu.yield
    }) : () -> ()
    return
  }
}

#map = affine_map<(d0, d1) -> (0, 0)>
#map1 = affine_map<(d0, d1) -> (0)>
#map2 = affine_map<(d0, d1) -> (0, 0, 0)>
module attributes {stable_mosaic.version = 14 : i64} {
  func.func @_scatter_add(%arg0: i32, %arg1: i32, %arg2: memref<160000x32xf32, #tpu.memory_space<hbm>>, %arg3: memref<160000xi32, #tpu.memory_space<hbm>>, %arg4: memref<10000x32xf32, #tpu.memory_space<hbm>>, %arg5: memref<1000x32xf32, #tpu.memory_space<hbm>>, %arg6: memref<2x10000x32xf32, #tpu.memory_space<hbm>>, %arg7: memref<2x10000x32xf32, #tpu.memory_space<hbm>>, %arg8: memref<1000xi32, #tpu.memory_space<vmem>>, %arg9: memref<1000x32xf32, #tpu.memory_space<vmem>>, %arg10: memref<1000x32xf32, #tpu.memory_space<vmem>>, %arg11: memref<10000x32xf32, #tpu.memory_space<vmem_shared>>, %arg12: memref<10000x32xf32, #tpu.memory_space<vmem_shared>>) attributes {dimension_semantics = [#tpu.dimension_semantics<core_parallel>, #tpu.dimension_semantics<subcore_parallel>], iteration_bounds = array<i64: 2, 16>, scalar_prefetch = 0 : i64, scratch_operands = 5 : i64, tpu.core_type = #tpu.core_type<sc_vector_subcore>, window_params = [{transform_indices = #map}, {transform_indices = #map1}, {transform_indices = #map}, {transform_indices = #map}, {transform_indices = #map2}, {transform_indices = #map2}]} {
    "tpu.region"() ({
      %run_scoped3A = tpu.sem_alloc : memref<!tpu.dma_semaphore, #tpu.memory_space<semaphore_mem>>
      tpu.enqueue_dma source(%arg5 : memref<1000x32xf32, #tpu.memory_space<hbm>>) target(%arg10 : memref<1000x32xf32, #tpu.memory_space<vmem>>) target_semaphore(%run_scoped3A : memref<!tpu.dma_semaphore, #tpu.memory_space<semaphore_mem>>)
      tpu.wait_dma2 semaphore(%run_scoped3A : memref<!tpu.dma_semaphore, #tpu.memory_space<semaphore_mem>>) src(%arg5 : memref<1000x32xf32, #tpu.memory_space<hbm>>) dst(%arg10 : memref<1000x32xf32, #tpu.memory_space<vmem>>)
      tpu.yield
    }) : () -> ()
    %eq3A = arith.constant 0 : i32
    %eq3A_0 = arith.cmpi eq, %arg1, %eq3A : i32
    %convert_element_type3A = arith.extui %eq3A_0 : i1 to i32
    %cond3A = arith.constant 0 : i32
    %cond3A_1 = arith.cmpi ne, %convert_element_type3A, %cond3A : i32
    scf.if %cond3A_1 {
      "tpu.region"() ({
        %run_scoped3A = tpu.sem_alloc : memref<!tpu.dma_semaphore, #tpu.memory_space<semaphore_mem>>
        tpu.enqueue_dma source(%arg4 : memref<10000x32xf32, #tpu.memory_space<hbm>>) target(%arg11 : memref<10000x32xf32, #tpu.memory_space<vmem_shared>>) target_semaphore(%run_scoped3A : memref<!tpu.dma_semaphore, #tpu.memory_space<semaphore_mem>>)
        tpu.wait_dma2 semaphore(%run_scoped3A : memref<!tpu.dma_semaphore, #tpu.memory_space<semaphore_mem>>) src(%arg4 : memref<10000x32xf32, #tpu.memory_space<hbm>>) dst(%arg11 : memref<10000x32xf32, #tpu.memory_space<vmem_shared>>)
        tpu.yield
      }) : () -> ()
    } else {
    }
    %eq3A_2 = arith.constant 1 : i32
    %eq3A_3 = arith.cmpi eq, %arg1, %eq3A_2 : i32
    %convert_element_type3A_4 = arith.extui %eq3A_3 : i1 to i32
    %cond3A_5 = arith.constant 0 : i32
    %cond3A_6 = arith.cmpi ne, %convert_element_type3A_4, %cond3A_5 : i32
    scf.if %cond3A_6 {
      "tpu.region"() ({
        %run_scoped3A = tpu.sem_alloc : memref<!tpu.dma_semaphore, #tpu.memory_space<semaphore_mem>>
        tpu.enqueue_dma source(%arg4 : memref<10000x32xf32, #tpu.memory_space<hbm>>) target(%arg12 : memref<10000x32xf32, #tpu.memory_space<vmem_shared>>) target_semaphore(%run_scoped3A : memref<!tpu.dma_semaphore, #tpu.memory_space<semaphore_mem>>)
        tpu.wait_dma2 semaphore(%run_scoped3A : memref<!tpu.dma_semaphore, #tpu.memory_space<semaphore_mem>>) src(%arg4 : memref<10000x32xf32, #tpu.memory_space<hbm>>) dst(%arg12 : memref<10000x32xf32, #tpu.memory_space<vmem_shared>>)
        tpu.yield
      }) : () -> ()
    } else {
    }
    %barrier3A = arith.constant 0 : index
    tpu.barrier barrier_id(%barrier3A)
    %mul3A = arith.constant 2 : i32
    %mul3A_7 = arith.muli %arg1, %mul3A : i32
    %add3A = arith.addi %mul3A_7, %arg0 : i32
    %mul3A_8 = arith.constant 5000 : i32
    %mul3A_9 = arith.muli %add3A, %mul3A_8 : i32
    %multiple_of3A = tpu.assume_multiple %mul3A_9, 8 : i32
    %add3A_10 = arith.constant 0 : i32
    %add3A_11 = arith.addi %multiple_of3A, %add3A_10 : i32
    %multiple_of3A_12 = tpu.assume_multiple %add3A_11, 8 : i32
    "tpu.region"() ({
      %run_scoped3A = tpu.sem_alloc : memref<!tpu.dma_semaphore, #tpu.memory_space<semaphore_mem>>
      %dma_start3A = tpu.memref_slice %arg3[%multiple_of3A_12] : memref<160000xi32, #tpu.memory_space<hbm>> -> memref<1000xi32, #tpu.memory_space<hbm>>
      %dma_start3A_38 = tpu.memref_slice %arg3[%multiple_of3A_12] : memref<160000xi32, #tpu.memory_space<hbm>> -> memref<1000xi32, #tpu.memory_space<hbm>>
      tpu.enqueue_dma source(%dma_start3A_38 : memref<1000xi32, #tpu.memory_space<hbm>>) target(%arg8 : memref<1000xi32, #tpu.memory_space<vmem>>) target_semaphore(%run_scoped3A : memref<!tpu.dma_semaphore, #tpu.memory_space<semaphore_mem>>)
      %dma_wait3A = tpu.memref_slice %arg3[%multiple_of3A_12] : memref<160000xi32, #tpu.memory_space<hbm>> -> memref<1000xi32, #tpu.memory_space<hbm>>
      %dma_wait3A_39 = tpu.memref_slice %arg3[%multiple_of3A_12] : memref<160000xi32, #tpu.memory_space<hbm>> -> memref<1000xi32, #tpu.memory_space<hbm>>
      tpu.wait_dma2 semaphore(%run_scoped3A : memref<!tpu.dma_semaphore, #tpu.memory_space<semaphore_mem>>) src(%dma_wait3A_39 : memref<1000xi32, #tpu.memory_space<hbm>>) dst(%arg8 : memref<1000xi32, #tpu.memory_space<vmem>>)
      tpu.yield
    }) : () -> ()
    "tpu.region"() ({
      %run_scoped3A = tpu.sem_alloc : memref<!tpu.dma_semaphore, #tpu.memory_space<semaphore_mem>>
      %dma_start3A = arith.constant 0 : i32
      %dma_start3A_38 = tpu.memref_slice %arg2[%multiple_of3A_12, %dma_start3A] : memref<160000x32xf32, #tpu.memory_space<hbm>> -> memref<1000x32xf32, #tpu.memory_space<hbm>>
      %dma_start3A_39 = arith.constant 0 : i32
      %dma_start3A_40 = tpu.memref_slice %arg2[%multiple_of3A_12, %dma_start3A_39] : memref<160000x32xf32, #tpu.memory_space<hbm>> -> memref<1000x32xf32, #tpu.memory_space<hbm>>
      tpu.enqueue_dma source(%dma_start3A_40 : memref<1000x32xf32, #tpu.memory_space<hbm>>) target(%arg9 : memref<1000x32xf32, #tpu.memory_space<vmem>>) target_semaphore(%run_scoped3A : memref<!tpu.dma_semaphore, #tpu.memory_space<semaphore_mem>>)
      %dma_wait3A = arith.constant 0 : i32
      %dma_wait3A_41 = tpu.memref_slice %arg2[%multiple_of3A_12, %dma_wait3A] : memref<160000x32xf32, #tpu.memory_space<hbm>> -> memref<1000x32xf32, #tpu.memory_space<hbm>>
      %dma_wait3A_42 = arith.constant 0 : i32
      %dma_wait3A_43 = tpu.memref_slice %arg2[%multiple_of3A_12, %dma_wait3A_42] : memref<160000x32xf32, #tpu.memory_space<hbm>> -> memref<1000x32xf32, #tpu.memory_space<hbm>>
      tpu.wait_dma2 semaphore(%run_scoped3A : memref<!tpu.dma_semaphore, #tpu.memory_space<semaphore_mem>>) src(%dma_wait3A_43 : memref<1000x32xf32, #tpu.memory_space<hbm>>) dst(%arg9 : memref<1000x32xf32, #tpu.memory_space<vmem>>)
      tpu.yield
    }) : () -> ()
    "tpu.region"() ({
      %run_scoped3A = tpu.sem_alloc : memref<!tpu.dma_semaphore, #tpu.memory_space<semaphore_mem>>
      %dma_start3A = arith.constant 0 : i32
      %dma_start3A_38 = arith.constant 0 : i32
      %dma_start3A_39 = tpu.memref_slice %arg11[%dma_start3A, %dma_start3A_38] : memref<10000x32xf32, #tpu.memory_space<vmem_shared>> -> memref<10000x32xf32, #tpu.memory_space<vmem_shared>>
      tpu.enqueue_indirect_dma source(%arg9 : memref<1000x32xf32, #tpu.memory_space<vmem>>) target(%dma_start3A_39 : memref<10000x32xf32, #tpu.memory_space<vmem_shared>>) offsets(%arg8 : memref<1000xi32, #tpu.memory_space<vmem>>) semaphore(%run_scoped3A : memref<!tpu.dma_semaphore, #tpu.memory_space<semaphore_mem>>) {add = true}
      %dma_wait3A = arith.constant 0 : i32
      %dma_wait3A_40 = arith.constant 0 : i32
      %dma_wait3A_41 = tpu.memref_slice %arg11[%dma_wait3A, %dma_wait3A_40] : memref<10000x32xf32, #tpu.memory_space<vmem_shared>> -> memref<10000x32xf32, #tpu.memory_space<vmem_shared>>
      tpu.wait_indirect_dma semaphore(%run_scoped3A : memref<!tpu.dma_semaphore, #tpu.memory_space<semaphore_mem>>) src(%arg9 : memref<1000x32xf32, #tpu.memory_space<vmem>>) dst(%dma_wait3A_41 : memref<10000x32xf32, #tpu.memory_space<vmem_shared>>)
      tpu.yield
    }) : () -> ()
    "tpu.region"() ({
      %run_scoped3A = tpu.sem_alloc : memref<!tpu.dma_semaphore, #tpu.memory_space<semaphore_mem>>
      %dma_start3A = arith.constant 0 : i32
      %dma_start3A_38 = arith.constant 0 : i32
      %dma_start3A_39 = tpu.memref_slice %arg12[%dma_start3A, %dma_start3A_38] : memref<10000x32xf32, #tpu.memory_space<vmem_shared>> -> memref<10000x32xf32, #tpu.memory_space<vmem_shared>>
      tpu.enqueue_indirect_dma source(%arg10 : memref<1000x32xf32, #tpu.memory_space<vmem>>) target(%dma_start3A_39 : memref<10000x32xf32, #tpu.memory_space<vmem_shared>>) offsets(%arg8 : memref<1000xi32, #tpu.memory_space<vmem>>) semaphore(%run_scoped3A : memref<!tpu.dma_semaphore, #tpu.memory_space<semaphore_mem>>) {add = true}
      %dma_wait3A = arith.constant 0 : i32
      %dma_wait3A_40 = arith.constant 0 : i32
      %dma_wait3A_41 = tpu.memref_slice %arg12[%dma_wait3A, %dma_wait3A_40] : memref<10000x32xf32, #tpu.memory_space<vmem_shared>> -> memref<10000x32xf32, #tpu.memory_space<vmem_shared>>
      tpu.wait_indirect_dma semaphore(%run_scoped3A : memref<!tpu.dma_semaphore, #tpu.memory_space<semaphore_mem>>) src(%arg10 : memref<1000x32xf32, #tpu.memory_space<vmem>>) dst(%dma_wait3A_41 : memref<10000x32xf32, #tpu.memory_space<vmem_shared>>)
      tpu.yield
    }) : () -> ()
    %add3A_13 = arith.constant 1000 : i32
    %add3A_14 = arith.addi %multiple_of3A, %add3A_13 : i32
    %multiple_of3A_15 = tpu.assume_multiple %add3A_14, 8 : i32
    "tpu.region"() ({
      %run_scoped3A = tpu.sem_alloc : memref<!tpu.dma_semaphore, #tpu.memory_space<semaphore_mem>>
      %dma_start3A = tpu.memref_slice %arg3[%multiple_of3A_15] : memref<160000xi32, #tpu.memory_space<hbm>> -> memref<1000xi32, #tpu.memory_space<hbm>>
      %dma_start3A_38 = tpu.memref_slice %arg3[%multiple_of3A_15] : memref<160000xi32, #tpu.memory_space<hbm>> -> memref<1000xi32, #tpu.memory_space<hbm>>
      tpu.enqueue_dma source(%dma_start3A_38 : memref<1000xi32, #tpu.memory_space<hbm>>) target(%arg8 : memref<1000xi32, #tpu.memory_space<vmem>>) target_semaphore(%run_scoped3A : memref<!tpu.dma_semaphore, #tpu.memory_space<semaphore_mem>>)
      %dma_wait3A = tpu.memref_slice %arg3[%multiple_of3A_15] : memref<160000xi32, #tpu.memory_space<hbm>> -> memref<1000xi32, #tpu.memory_space<hbm>>
      %dma_wait3A_39 = tpu.memref_slice %arg3[%multiple_of3A_15] : memref<160000xi32, #tpu.memory_space<hbm>> -> memref<1000xi32, #tpu.memory_space<hbm>>
      tpu.wait_dma2 semaphore(%run_scoped3A : memref<!tpu.dma_semaphore, #tpu.memory_space<semaphore_mem>>) src(%dma_wait3A_39 : memref<1000xi32, #tpu.memory_space<hbm>>) dst(%arg8 : memref<1000xi32, #tpu.memory_space<vmem>>)
      tpu.yield
    }) : () -> ()
    "tpu.region"() ({
      %run_scoped3A = tpu.sem_alloc : memref<!tpu.dma_semaphore, #tpu.memory_space<semaphore_mem>>
      %dma_start3A = arith.constant 0 : i32
      %dma_start3A_38 = tpu.memref_slice %arg2[%multiple_of3A_15, %dma_start3A] : memref<160000x32xf32, #tpu.memory_space<hbm>> -> memref<1000x32xf32, #tpu.memory_space<hbm>>
      %dma_start3A_39 = arith.constant 0 : i32
      %dma_start3A_40 = tpu.memref_slice %arg2[%multiple_of3A_15, %dma_start3A_39] : memref<160000x32xf32, #tpu.memory_space<hbm>> -> memref<1000x32xf32, #tpu.memory_space<hbm>>
      tpu.enqueue_dma source(%dma_start3A_40 : memref<1000x32xf32, #tpu.memory_space<hbm>>) target(%arg9 : memref<1000x32xf32, #tpu.memory_space<vmem>>) target_semaphore(%run_scoped3A : memref<!tpu.dma_semaphore, #tpu.memory_space<semaphore_mem>>)
      %dma_wait3A = arith.constant 0 : i32
      %dma_wait3A_41 = tpu.memref_slice %arg2[%multiple_of3A_15, %dma_wait3A] : memref<160000x32xf32, #tpu.memory_space<hbm>> -> memref<1000x32xf32, #tpu.memory_space<hbm>>
      %dma_wait3A_42 = arith.constant 0 : i32
      %dma_wait3A_43 = tpu.memref_slice %arg2[%multiple_of3A_15, %dma_wait3A_42] : memref<160000x32xf32, #tpu.memory_space<hbm>> -> memref<1000x32xf32, #tpu.memory_space<hbm>>
      tpu.wait_dma2 semaphore(%run_scoped3A : memref<!tpu.dma_semaphore, #tpu.memory_space<semaphore_mem>>) src(%dma_wait3A_43 : memref<1000x32xf32, #tpu.memory_space<hbm>>) dst(%arg9 : memref<1000x32xf32, #tpu.memory_space<vmem>>)
      tpu.yield
    }) : () -> ()
    "tpu.region"() ({
      %run_scoped3A = tpu.sem_alloc : memref<!tpu.dma_semaphore, #tpu.memory_space<semaphore_mem>>
      %dma_start3A = arith.constant 0 : i32
      %dma_start3A_38 = arith.constant 0 : i32
      %dma_start3A_39 = tpu.memref_slice %arg11[%dma_start3A, %dma_start3A_38] : memref<10000x32xf32, #tpu.memory_space<vmem_shared>> -> memref<10000x32xf32, #tpu.memory_space<vmem_shared>>
      tpu.enqueue_indirect_dma source(%arg9 : memref<1000x32xf32, #tpu.memory_space<vmem>>) target(%dma_start3A_39 : memref<10000x32xf32, #tpu.memory_space<vmem_shared>>) offsets(%arg8 : memref<1000xi32, #tpu.memory_space<vmem>>) semaphore(%run_scoped3A : memref<!tpu.dma_semaphore, #tpu.memory_space<semaphore_mem>>) {add = true}
      %dma_wait3A = arith.constant 0 : i32
      %dma_wait3A_40 = arith.constant 0 : i32
      %dma_wait3A_41 = tpu.memref_slice %arg11[%dma_wait3A, %dma_wait3A_40] : memref<10000x32xf32, #tpu.memory_space<vmem_shared>> -> memref<10000x32xf32, #tpu.memory_space<vmem_shared>>
      tpu.wait_indirect_dma semaphore(%run_scoped3A : memref<!tpu.dma_semaphore, #tpu.memory_space<semaphore_mem>>) src(%arg9 : memref<1000x32xf32, #tpu.memory_space<vmem>>) dst(%dma_wait3A_41 : memref<10000x32xf32, #tpu.memory_space<vmem_shared>>)
      tpu.yield
    }) : () -> ()
    "tpu.region"() ({
      %run_scoped3A = tpu.sem_alloc : memref<!tpu.dma_semaphore, #tpu.memory_space<semaphore_mem>>
      %dma_start3A = arith.constant 0 : i32
      %dma_start3A_38 = arith.constant 0 : i32
      %dma_start3A_39 = tpu.memref_slice %arg12[%dma_start3A, %dma_start3A_38] : memref<10000x32xf32, #tpu.memory_space<vmem_shared>> -> memref<10000x32xf32, #tpu.memory_space<vmem_shared>>
      tpu.enqueue_indirect_dma source(%arg10 : memref<1000x32xf32, #tpu.memory_space<vmem>>) target(%dma_start3A_39 : memref<10000x32xf32, #tpu.memory_space<vmem_shared>>) offsets(%arg8 : memref<1000xi32, #tpu.memory_space<vmem>>) semaphore(%run_scoped3A : memref<!tpu.dma_semaphore, #tpu.memory_space<semaphore_mem>>) {add = true}
      %dma_wait3A = arith.constant 0 : i32
      %dma_wait3A_40 = arith.constant 0 : i32
      %dma_wait3A_41 = tpu.memref_slice %arg12[%dma_wait3A, %dma_wait3A_40] : memref<10000x32xf32, #tpu.memory_space<vmem_shared>> -> memref<10000x32xf32, #tpu.memory_space<vmem_shared>>
      tpu.wait_indirect_dma semaphore(%run_scoped3A : memref<!tpu.dma_semaphore, #tpu.memory_space<semaphore_mem>>) src(%arg10 : memref<1000x32xf32, #tpu.memory_space<vmem>>) dst(%dma_wait3A_41 : memref<10000x32xf32, #tpu.memory_space<vmem_shared>>)
      tpu.yield
    }) : () -> ()
    %add3A_16 = arith.constant 2000 : i32
    %add3A_17 = arith.addi %multiple_of3A, %add3A_16 : i32
    %multiple_of3A_18 = tpu.assume_multiple %add3A_17, 8 : i32
    "tpu.region"() ({
      %run_scoped3A = tpu.sem_alloc : memref<!tpu.dma_semaphore, #tpu.memory_space<semaphore_mem>>
      %dma_start3A = tpu.memref_slice %arg3[%multiple_of3A_18] : memref<160000xi32, #tpu.memory_space<hbm>> -> memref<1000xi32, #tpu.memory_space<hbm>>
      %dma_start3A_38 = tpu.memref_slice %arg3[%multiple_of3A_18] : memref<160000xi32, #tpu.memory_space<hbm>> -> memref<1000xi32, #tpu.memory_space<hbm>>
      tpu.enqueue_dma source(%dma_start3A_38 : memref<1000xi32, #tpu.memory_space<hbm>>) target(%arg8 : memref<1000xi32, #tpu.memory_space<vmem>>) target_semaphore(%run_scoped3A : memref<!tpu.dma_semaphore, #tpu.memory_space<semaphore_mem>>)
      %dma_wait3A = tpu.memref_slice %arg3[%multiple_of3A_18] : memref<160000xi32, #tpu.memory_space<hbm>> -> memref<1000xi32, #tpu.memory_space<hbm>>
      %dma_wait3A_39 = tpu.memref_slice %arg3[%multiple_of3A_18] : memref<160000xi32, #tpu.memory_space<hbm>> -> memref<1000xi32, #tpu.memory_space<hbm>>
      tpu.wait_dma2 semaphore(%run_scoped3A : memref<!tpu.dma_semaphore, #tpu.memory_space<semaphore_mem>>) src(%dma_wait3A_39 : memref<1000xi32, #tpu.memory_space<hbm>>) dst(%arg8 : memref<1000xi32, #tpu.memory_space<vmem>>)
      tpu.yield
    }) : () -> ()
    "tpu.region"() ({
      %run_scoped3A = tpu.sem_alloc : memref<!tpu.dma_semaphore, #tpu.memory_space<semaphore_mem>>
      %dma_start3A = arith.constant 0 : i32
      %dma_start3A_38 = tpu.memref_slice %arg2[%multiple_of3A_18, %dma_start3A] : memref<160000x32xf32, #tpu.memory_space<hbm>> -> memref<1000x32xf32, #tpu.memory_space<hbm>>
      %dma_start3A_39 = arith.constant 0 : i32
      %dma_start3A_40 = tpu.memref_slice %arg2[%multiple_of3A_18, %dma_start3A_39] : memref<160000x32xf32, #tpu.memory_space<hbm>> -> memref<1000x32xf32, #tpu.memory_space<hbm>>
      tpu.enqueue_dma source(%dma_start3A_40 : memref<1000x32xf32, #tpu.memory_space<hbm>>) target(%arg9 : memref<1000x32xf32, #tpu.memory_space<vmem>>) target_semaphore(%run_scoped3A : memref<!tpu.dma_semaphore, #tpu.memory_space<semaphore_mem>>)
      %dma_wait3A = arith.constant 0 : i32
      %dma_wait3A_41 = tpu.memref_slice %arg2[%multiple_of3A_18, %dma_wait3A] : memref<160000x32xf32, #tpu.memory_space<hbm>> -> memref<1000x32xf32, #tpu.memory_space<hbm>>
      %dma_wait3A_42 = arith.constant 0 : i32
      %dma_wait3A_43 = tpu.memref_slice %arg2[%multiple_of3A_18, %dma_wait3A_42] : memref<160000x32xf32, #tpu.memory_space<hbm>> -> memref<1000x32xf32, #tpu.memory_space<hbm>>
      tpu.wait_dma2 semaphore(%run_scoped3A : memref<!tpu.dma_semaphore, #tpu.memory_space<semaphore_mem>>) src(%dma_wait3A_43 : memref<1000x32xf32, #tpu.memory_space<hbm>>) dst(%arg9 : memref<1000x32xf32, #tpu.memory_space<vmem>>)
      tpu.yield
    }) : () -> ()
    "tpu.region"() ({
      %run_scoped3A = tpu.sem_alloc : memref<!tpu.dma_semaphore, #tpu.memory_space<semaphore_mem>>
      %dma_start3A = arith.constant 0 : i32
      %dma_start3A_38 = arith.constant 0 : i32
      %dma_start3A_39 = tpu.memref_slice %arg11[%dma_start3A, %dma_start3A_38] : memref<10000x32xf32, #tpu.memory_space<vmem_shared>> -> memref<10000x32xf32, #tpu.memory_space<vmem_shared>>
      tpu.enqueue_indirect_dma source(%arg9 : memref<1000x32xf32, #tpu.memory_space<vmem>>) target(%dma_start3A_39 : memref<10000x32xf32, #tpu.memory_space<vmem_shared>>) offsets(%arg8 : memref<1000xi32, #tpu.memory_space<vmem>>) semaphore(%run_scoped3A : memref<!tpu.dma_semaphore, #tpu.memory_space<semaphore_mem>>) {add = true}
      %dma_wait3A = arith.constant 0 : i32
      %dma_wait3A_40 = arith.constant 0 : i32
      %dma_wait3A_41 = tpu.memref_slice %arg11[%dma_wait3A, %dma_wait3A_40] : memref<10000x32xf32, #tpu.memory_space<vmem_shared>> -> memref<10000x32xf32, #tpu.memory_space<vmem_shared>>
      tpu.wait_indirect_dma semaphore(%run_scoped3A : memref<!tpu.dma_semaphore, #tpu.memory_space<semaphore_mem>>) src(%arg9 : memref<1000x32xf32, #tpu.memory_space<vmem>>) dst(%dma_wait3A_41 : memref<10000x32xf32, #tpu.memory_space<vmem_shared>>)
      tpu.yield
    }) : () -> ()
    "tpu.region"() ({
      %run_scoped3A = tpu.sem_alloc : memref<!tpu.dma_semaphore, #tpu.memory_space<semaphore_mem>>
      %dma_start3A = arith.constant 0 : i32
      %dma_start3A_38 = arith.constant 0 : i32
      %dma_start3A_39 = tpu.memref_slice %arg12[%dma_start3A, %dma_start3A_38] : memref<10000x32xf32, #tpu.memory_space<vmem_shared>> -> memref<10000x32xf32, #tpu.memory_space<vmem_shared>>
      tpu.enqueue_indirect_dma source(%arg10 : memref<1000x32xf32, #tpu.memory_space<vmem>>) target(%dma_start3A_39 : memref<10000x32xf32, #tpu.memory_space<vmem_shared>>) offsets(%arg8 : memref<1000xi32, #tpu.memory_space<vmem>>) semaphore(%run_scoped3A : memref<!tpu.dma_semaphore, #tpu.memory_space<semaphore_mem>>) {add = true}
      %dma_wait3A = arith.constant 0 : i32
      %dma_wait3A_40 = arith.constant 0 : i32
      %dma_wait3A_41 = tpu.memref_slice %arg12[%dma_wait3A, %dma_wait3A_40] : memref<10000x32xf32, #tpu.memory_space<vmem_shared>> -> memref<10000x32xf32, #tpu.memory_space<vmem_shared>>
      tpu.wait_indirect_dma semaphore(%run_scoped3A : memref<!tpu.dma_semaphore, #tpu.memory_space<semaphore_mem>>) src(%arg10 : memref<1000x32xf32, #tpu.memory_space<vmem>>) dst(%dma_wait3A_41 : memref<10000x32xf32, #tpu.memory_space<vmem_shared>>)
      tpu.yield
    }) : () -> ()
    %add3A_19 = arith.constant 3000 : i32
    %add3A_20 = arith.addi %multiple_of3A, %add3A_19 : i32
    %multiple_of3A_21 = tpu.assume_multiple %add3A_20, 8 : i32
    "tpu.region"() ({
      %run_scoped3A = tpu.sem_alloc : memref<!tpu.dma_semaphore, #tpu.memory_space<semaphore_mem>>
      %dma_start3A = tpu.memref_slice %arg3[%multiple_of3A_21] : memref<160000xi32, #tpu.memory_space<hbm>> -> memref<1000xi32, #tpu.memory_space<hbm>>
      %dma_start3A_38 = tpu.memref_slice %arg3[%multiple_of3A_21] : memref<160000xi32, #tpu.memory_space<hbm>> -> memref<1000xi32, #tpu.memory_space<hbm>>
      tpu.enqueue_dma source(%dma_start3A_38 : memref<1000xi32, #tpu.memory_space<hbm>>) target(%arg8 : memref<1000xi32, #tpu.memory_space<vmem>>) target_semaphore(%run_scoped3A : memref<!tpu.dma_semaphore, #tpu.memory_space<semaphore_mem>>)
      %dma_wait3A = tpu.memref_slice %arg3[%multiple_of3A_21] : memref<160000xi32, #tpu.memory_space<hbm>> -> memref<1000xi32, #tpu.memory_space<hbm>>
      %dma_wait3A_39 = tpu.memref_slice %arg3[%multiple_of3A_21] : memref<160000xi32, #tpu.memory_space<hbm>> -> memref<1000xi32, #tpu.memory_space<hbm>>
      tpu.wait_dma2 semaphore(%run_scoped3A : memref<!tpu.dma_semaphore, #tpu.memory_space<semaphore_mem>>) src(%dma_wait3A_39 : memref<1000xi32, #tpu.memory_space<hbm>>) dst(%arg8 : memref<1000xi32, #tpu.memory_space<vmem>>)
      tpu.yield
    }) : () -> ()
    "tpu.region"() ({
      %run_scoped3A = tpu.sem_alloc : memref<!tpu.dma_semaphore, #tpu.memory_space<semaphore_mem>>
      %dma_start3A = arith.constant 0 : i32
      %dma_start3A_38 = tpu.memref_slice %arg2[%multiple_of3A_21, %dma_start3A] : memref<160000x32xf32, #tpu.memory_space<hbm>> -> memref<1000x32xf32, #tpu.memory_space<hbm>>
      %dma_start3A_39 = arith.constant 0 : i32
      %dma_start3A_40 = tpu.memref_slice %arg2[%multiple_of3A_21, %dma_start3A_39] : memref<160000x32xf32, #tpu.memory_space<hbm>> -> memref<1000x32xf32, #tpu.memory_space<hbm>>
      tpu.enqueue_dma source(%dma_start3A_40 : memref<1000x32xf32, #tpu.memory_space<hbm>>) target(%arg9 : memref<1000x32xf32, #tpu.memory_space<vmem>>) target_semaphore(%run_scoped3A : memref<!tpu.dma_semaphore, #tpu.memory_space<semaphore_mem>>)
      %dma_wait3A = arith.constant 0 : i32
      %dma_wait3A_41 = tpu.memref_slice %arg2[%multiple_of3A_21, %dma_wait3A] : memref<160000x32xf32, #tpu.memory_space<hbm>> -> memref<1000x32xf32, #tpu.memory_space<hbm>>
      %dma_wait3A_42 = arith.constant 0 : i32
      %dma_wait3A_43 = tpu.memref_slice %arg2[%multiple_of3A_21, %dma_wait3A_42] : memref<160000x32xf32, #tpu.memory_space<hbm>> -> memref<1000x32xf32, #tpu.memory_space<hbm>>
      tpu.wait_dma2 semaphore(%run_scoped3A : memref<!tpu.dma_semaphore, #tpu.memory_space<semaphore_mem>>) src(%dma_wait3A_43 : memref<1000x32xf32, #tpu.memory_space<hbm>>) dst(%arg9 : memref<1000x32xf32, #tpu.memory_space<vmem>>)
      tpu.yield
    }) : () -> ()
    "tpu.region"() ({
      %run_scoped3A = tpu.sem_alloc : memref<!tpu.dma_semaphore, #tpu.memory_space<semaphore_mem>>
      %dma_start3A = arith.constant 0 : i32
      %dma_start3A_38 = arith.constant 0 : i32
      %dma_start3A_39 = tpu.memref_slice %arg11[%dma_start3A, %dma_start3A_38] : memref<10000x32xf32, #tpu.memory_space<vmem_shared>> -> memref<10000x32xf32, #tpu.memory_space<vmem_shared>>
      tpu.enqueue_indirect_dma source(%arg9 : memref<1000x32xf32, #tpu.memory_space<vmem>>) target(%dma_start3A_39 : memref<10000x32xf32, #tpu.memory_space<vmem_shared>>) offsets(%arg8 : memref<1000xi32, #tpu.memory_space<vmem>>) semaphore(%run_scoped3A : memref<!tpu.dma_semaphore, #tpu.memory_space<semaphore_mem>>) {add = true}
      %dma_wait3A = arith.constant 0 : i32
      %dma_wait3A_40 = arith.constant 0 : i32
      %dma_wait3A_41 = tpu.memref_slice %arg11[%dma_wait3A, %dma_wait3A_40] : memref<10000x32xf32, #tpu.memory_space<vmem_shared>> -> memref<10000x32xf32, #tpu.memory_space<vmem_shared>>
      tpu.wait_indirect_dma semaphore(%run_scoped3A : memref<!tpu.dma_semaphore, #tpu.memory_space<semaphore_mem>>) src(%arg9 : memref<1000x32xf32, #tpu.memory_space<vmem>>) dst(%dma_wait3A_41 : memref<10000x32xf32, #tpu.memory_space<vmem_shared>>)
      tpu.yield
    }) : () -> ()
    "tpu.region"() ({
      %run_scoped3A = tpu.sem_alloc : memref<!tpu.dma_semaphore, #tpu.memory_space<semaphore_mem>>
      %dma_start3A = arith.constant 0 : i32
      %dma_start3A_38 = arith.constant 0 : i32
      %dma_start3A_39 = tpu.memref_slice %arg12[%dma_start3A, %dma_start3A_38] : memref<10000x32xf32, #tpu.memory_space<vmem_shared>> -> memref<10000x32xf32, #tpu.memory_space<vmem_shared>>
      tpu.enqueue_indirect_dma source(%arg10 : memref<1000x32xf32, #tpu.memory_space<vmem>>) target(%dma_start3A_39 : memref<10000x32xf32, #tpu.memory_space<vmem_shared>>) offsets(%arg8 : memref<1000xi32, #tpu.memory_space<vmem>>) semaphore(%run_scoped3A : memref<!tpu.dma_semaphore, #tpu.memory_space<semaphore_mem>>) {add = true}
      %dma_wait3A = arith.constant 0 : i32
      %dma_wait3A_40 = arith.constant 0 : i32
      %dma_wait3A_41 = tpu.memref_slice %arg12[%dma_wait3A, %dma_wait3A_40] : memref<10000x32xf32, #tpu.memory_space<vmem_shared>> -> memref<10000x32xf32, #tpu.memory_space<vmem_shared>>
      tpu.wait_indirect_dma semaphore(%run_scoped3A : memref<!tpu.dma_semaphore, #tpu.memory_space<semaphore_mem>>) src(%arg10 : memref<1000x32xf32, #tpu.memory_space<vmem>>) dst(%dma_wait3A_41 : memref<10000x32xf32, #tpu.memory_space<vmem_shared>>)
      tpu.yield
    }) : () -> ()
    %add3A_22 = arith.constant 4000 : i32
    %add3A_23 = arith.addi %multiple_of3A, %add3A_22 : i32
    %multiple_of3A_24 = tpu.assume_multiple %add3A_23, 8 : i32
    "tpu.region"() ({
      %run_scoped3A = tpu.sem_alloc : memref<!tpu.dma_semaphore, #tpu.memory_space<semaphore_mem>>
      %dma_start3A = tpu.memref_slice %arg3[%multiple_of3A_24] : memref<160000xi32, #tpu.memory_space<hbm>> -> memref<1000xi32, #tpu.memory_space<hbm>>
      %dma_start3A_38 = tpu.memref_slice %arg3[%multiple_of3A_24] : memref<160000xi32, #tpu.memory_space<hbm>> -> memref<1000xi32, #tpu.memory_space<hbm>>
      tpu.enqueue_dma source(%dma_start3A_38 : memref<1000xi32, #tpu.memory_space<hbm>>) target(%arg8 : memref<1000xi32, #tpu.memory_space<vmem>>) target_semaphore(%run_scoped3A : memref<!tpu.dma_semaphore, #tpu.memory_space<semaphore_mem>>)
      %dma_wait3A = tpu.memref_slice %arg3[%multiple_of3A_24] : memref<160000xi32, #tpu.memory_space<hbm>> -> memref<1000xi32, #tpu.memory_space<hbm>>
      %dma_wait3A_39 = tpu.memref_slice %arg3[%multiple_of3A_24] : memref<160000xi32, #tpu.memory_space<hbm>> -> memref<1000xi32, #tpu.memory_space<hbm>>
      tpu.wait_dma2 semaphore(%run_scoped3A : memref<!tpu.dma_semaphore, #tpu.memory_space<semaphore_mem>>) src(%dma_wait3A_39 : memref<1000xi32, #tpu.memory_space<hbm>>) dst(%arg8 : memref<1000xi32, #tpu.memory_space<vmem>>)
      tpu.yield
    }) : () -> ()
    "tpu.region"() ({
      %run_scoped3A = tpu.sem_alloc : memref<!tpu.dma_semaphore, #tpu.memory_space<semaphore_mem>>
      %dma_start3A = arith.constant 0 : i32
      %dma_start3A_38 = tpu.memref_slice %arg2[%multiple_of3A_24, %dma_start3A] : memref<160000x32xf32, #tpu.memory_space<hbm>> -> memref<1000x32xf32, #tpu.memory_space<hbm>>
      %dma_start3A_39 = arith.constant 0 : i32
      %dma_start3A_40 = tpu.memref_slice %arg2[%multiple_of3A_24, %dma_start3A_39] : memref<160000x32xf32, #tpu.memory_space<hbm>> -> memref<1000x32xf32, #tpu.memory_space<hbm>>
      tpu.enqueue_dma source(%dma_start3A_40 : memref<1000x32xf32, #tpu.memory_space<hbm>>) target(%arg9 : memref<1000x32xf32, #tpu.memory_space<vmem>>) target_semaphore(%run_scoped3A : memref<!tpu.dma_semaphore, #tpu.memory_space<semaphore_mem>>)
      %dma_wait3A = arith.constant 0 : i32
      %dma_wait3A_41 = tpu.memref_slice %arg2[%multiple_of3A_24, %dma_wait3A] : memref<160000x32xf32, #tpu.memory_space<hbm>> -> memref<1000x32xf32, #tpu.memory_space<hbm>>
      %dma_wait3A_42 = arith.constant 0 : i32
      %dma_wait3A_43 = tpu.memref_slice %arg2[%multiple_of3A_24, %dma_wait3A_42] : memref<160000x32xf32, #tpu.memory_space<hbm>> -> memref<1000x32xf32, #tpu.memory_space<hbm>>
      tpu.wait_dma2 semaphore(%run_scoped3A : memref<!tpu.dma_semaphore, #tpu.memory_space<semaphore_mem>>) src(%dma_wait3A_43 : memref<1000x32xf32, #tpu.memory_space<hbm>>) dst(%arg9 : memref<1000x32xf32, #tpu.memory_space<vmem>>)
      tpu.yield
    }) : () -> ()
    "tpu.region"() ({
      %run_scoped3A = tpu.sem_alloc : memref<!tpu.dma_semaphore, #tpu.memory_space<semaphore_mem>>
      %dma_start3A = arith.constant 0 : i32
      %dma_start3A_38 = arith.constant 0 : i32
      %dma_start3A_39 = tpu.memref_slice %arg11[%dma_start3A, %dma_start3A_38] : memref<10000x32xf32, #tpu.memory_space<vmem_shared>> -> memref<10000x32xf32, #tpu.memory_space<vmem_shared>>
      tpu.enqueue_indirect_dma source(%arg9 : memref<1000x32xf32, #tpu.memory_space<vmem>>) target(%dma_start3A_39 : memref<10000x32xf32, #tpu.memory_space<vmem_shared>>) offsets(%arg8 : memref<1000xi32, #tpu.memory_space<vmem>>) semaphore(%run_scoped3A : memref<!tpu.dma_semaphore, #tpu.memory_space<semaphore_mem>>) {add = true}
      %dma_wait3A = arith.constant 0 : i32
      %dma_wait3A_40 = arith.constant 0 : i32
      %dma_wait3A_41 = tpu.memref_slice %arg11[%dma_wait3A, %dma_wait3A_40] : memref<10000x32xf32, #tpu.memory_space<vmem_shared>> -> memref<10000x32xf32, #tpu.memory_space<vmem_shared>>
      tpu.wait_indirect_dma semaphore(%run_scoped3A : memref<!tpu.dma_semaphore, #tpu.memory_space<semaphore_mem>>) src(%arg9 : memref<1000x32xf32, #tpu.memory_space<vmem>>) dst(%dma_wait3A_41 : memref<10000x32xf32, #tpu.memory_space<vmem_shared>>)
      tpu.yield
    }) : () -> ()
    "tpu.region"() ({
      %run_scoped3A = tpu.sem_alloc : memref<!tpu.dma_semaphore, #tpu.memory_space<semaphore_mem>>
      %dma_start3A = arith.constant 0 : i32
      %dma_start3A_38 = arith.constant 0 : i32
      %dma_start3A_39 = tpu.memref_slice %arg12[%dma_start3A, %dma_start3A_38] : memref<10000x32xf32, #tpu.memory_space<vmem_shared>> -> memref<10000x32xf32, #tpu.memory_space<vmem_shared>>
      tpu.enqueue_indirect_dma source(%arg10 : memref<1000x32xf32, #tpu.memory_space<vmem>>) target(%dma_start3A_39 : memref<10000x32xf32, #tpu.memory_space<vmem_shared>>) offsets(%arg8 : memref<1000xi32, #tpu.memory_space<vmem>>) semaphore(%run_scoped3A : memref<!tpu.dma_semaphore, #tpu.memory_space<semaphore_mem>>) {add = true}
      %dma_wait3A = arith.constant 0 : i32
      %dma_wait3A_40 = arith.constant 0 : i32
      %dma_wait3A_41 = tpu.memref_slice %arg12[%dma_wait3A, %dma_wait3A_40] : memref<10000x32xf32, #tpu.memory_space<vmem_shared>> -> memref<10000x32xf32, #tpu.memory_space<vmem_shared>>
      tpu.wait_indirect_dma semaphore(%run_scoped3A : memref<!tpu.dma_semaphore, #tpu.memory_space<semaphore_mem>>) src(%arg10 : memref<1000x32xf32, #tpu.memory_space<vmem>>) dst(%dma_wait3A_41 : memref<10000x32xf32, #tpu.memory_space<vmem_shared>>)
      tpu.yield
    }) : () -> ()
    %barrier3A_25 = arith.constant 0 : index
    tpu.barrier barrier_id(%barrier3A_25)
    %mul3A_26 = arith.constant 640 : i32
    %mul3A_27 = arith.muli %arg1, %mul3A_26 : i32
    %multiple_of3A_28 = tpu.assume_multiple %mul3A_27, 8 : i32
    %lt3A = arith.constant 15 : i32
    %lt3A_29 = arith.cmpi slt, %arg1, %lt3A : i32
    %convert_element_type3A_30 = arith.extui %lt3A_29 : i1 to i32
    %cond3A_31 = arith.constant 0 : i32
    %cond3A_32 = arith.cmpi ne, %convert_element_type3A_30, %cond3A_31 : i32
    scf.if %cond3A_32 {
      "tpu.region"() ({
        %run_scoped3A = tpu.sem_alloc : memref<!tpu.dma_semaphore, #tpu.memory_space<semaphore_mem>>
        %dma_start3A = arith.constant 0 : i32
        %dma_start3A_38 = tpu.memref_slice %arg6[%arg0, %multiple_of3A_28, %dma_start3A] : memref<2x10000x32xf32, #tpu.memory_space<hbm>> -> memref<1x640x32xf32, #tpu.memory_space<hbm>>
        %dma_start3A_39 = tpu.memref_squeeze %dma_start3A_38 : memref<1x640x32xf32, #tpu.memory_space<hbm>> -> memref<640x32xf32, #tpu.memory_space<hbm>>
        %dma_start3A_40 = arith.constant 0 : i32
        %dma_start3A_41 = tpu.memref_slice %arg11[%multiple_of3A_28, %dma_start3A_40] : memref<10000x32xf32, #tpu.memory_space<vmem_shared>> -> memref<640x32xf32, #tpu.memory_space<vmem_shared>>
        tpu.enqueue_dma source(%dma_start3A_41 : memref<640x32xf32, #tpu.memory_space<vmem_shared>>) target(%dma_start3A_39 : memref<640x32xf32, #tpu.memory_space<hbm>>) target_semaphore(%run_scoped3A : memref<!tpu.dma_semaphore, #tpu.memory_space<semaphore_mem>>)
        %dma_wait3A = arith.constant 0 : i32
        %dma_wait3A_42 = tpu.memref_slice %arg6[%arg0, %multiple_of3A_28, %dma_wait3A] : memref<2x10000x32xf32, #tpu.memory_space<hbm>> -> memref<1x640x32xf32, #tpu.memory_space<hbm>>
        %dma_wait3A_43 = tpu.memref_squeeze %dma_wait3A_42 : memref<1x640x32xf32, #tpu.memory_space<hbm>> -> memref<640x32xf32, #tpu.memory_space<hbm>>
        %dma_wait3A_44 = arith.constant 0 : i32
        %dma_wait3A_45 = tpu.memref_slice %arg11[%multiple_of3A_28, %dma_wait3A_44] : memref<10000x32xf32, #tpu.memory_space<vmem_shared>> -> memref<640x32xf32, #tpu.memory_space<vmem_shared>>
        tpu.wait_dma2 semaphore(%run_scoped3A : memref<!tpu.dma_semaphore, #tpu.memory_space<semaphore_mem>>) src(%dma_wait3A_45 : memref<640x32xf32, #tpu.memory_space<vmem_shared>>) dst(%dma_wait3A_43 : memref<640x32xf32, #tpu.memory_space<hbm>>)
        tpu.yield
      }) : () -> ()
      "tpu.region"() ({
        %run_scoped3A = tpu.sem_alloc : memref<!tpu.dma_semaphore, #tpu.memory_space<semaphore_mem>>
        %dma_start3A = arith.constant 0 : i32
        %dma_start3A_38 = tpu.memref_slice %arg7[%arg0, %multiple_of3A_28, %dma_start3A] : memref<2x10000x32xf32, #tpu.memory_space<hbm>> -> memref<1x640x32xf32, #tpu.memory_space<hbm>>
        %dma_start3A_39 = tpu.memref_squeeze %dma_start3A_38 : memref<1x640x32xf32, #tpu.memory_space<hbm>> -> memref<640x32xf32, #tpu.memory_space<hbm>>
        %dma_start3A_40 = arith.constant 0 : i32
        %dma_start3A_41 = tpu.memref_slice %arg12[%multiple_of3A_28, %dma_start3A_40] : memref<10000x32xf32, #tpu.memory_space<vmem_shared>> -> memref<640x32xf32, #tpu.memory_space<vmem_shared>>
        tpu.enqueue_dma source(%dma_start3A_41 : memref<640x32xf32, #tpu.memory_space<vmem_shared>>) target(%dma_start3A_39 : memref<640x32xf32, #tpu.memory_space<hbm>>) target_semaphore(%run_scoped3A : memref<!tpu.dma_semaphore, #tpu.memory_space<semaphore_mem>>)
        %dma_wait3A = arith.constant 0 : i32
        %dma_wait3A_42 = tpu.memref_slice %arg7[%arg0, %multiple_of3A_28, %dma_wait3A] : memref<2x10000x32xf32, #tpu.memory_space<hbm>> -> memref<1x640x32xf32, #tpu.memory_space<hbm>>
        %dma_wait3A_43 = tpu.memref_squeeze %dma_wait3A_42 : memref<1x640x32xf32, #tpu.memory_space<hbm>> -> memref<640x32xf32, #tpu.memory_space<hbm>>
        %dma_wait3A_44 = arith.constant 0 : i32
        %dma_wait3A_45 = tpu.memref_slice %arg12[%multiple_of3A_28, %dma_wait3A_44] : memref<10000x32xf32, #tpu.memory_space<vmem_shared>> -> memref<640x32xf32, #tpu.memory_space<vmem_shared>>
        tpu.wait_dma2 semaphore(%run_scoped3A : memref<!tpu.dma_semaphore, #tpu.memory_space<semaphore_mem>>) src(%dma_wait3A_45 : memref<640x32xf32, #tpu.memory_space<vmem_shared>>) dst(%dma_wait3A_43 : memref<640x32xf32, #tpu.memory_space<hbm>>)
        tpu.yield
      }) : () -> ()
    } else {
    }
    %eq3A_33 = arith.constant 15 : i32
    %eq3A_34 = arith.cmpi eq, %arg1, %eq3A_33 : i32
    %convert_element_type3A_35 = arith.extui %eq3A_34 : i1 to i32
    %cond3A_36 = arith.constant 0 : i32
    %cond3A_37 = arith.cmpi ne, %convert_element_type3A_35, %cond3A_36 : i32
    scf.if %cond3A_37 {
      "tpu.region"() ({
        %run_scoped3A = tpu.sem_alloc : memref<!tpu.dma_semaphore, #tpu.memory_space<semaphore_mem>>
        %dma_start3A = arith.constant 9600 : i32
        %dma_start3A_38 = arith.constant 0 : i32
        %dma_start3A_39 = tpu.memref_slice %arg6[%arg0, %dma_start3A, %dma_start3A_38] : memref<2x10000x32xf32, #tpu.memory_space<hbm>> -> memref<1x400x32xf32, #tpu.memory_space<hbm>>
        %dma_start3A_40 = tpu.memref_squeeze %dma_start3A_39 : memref<1x400x32xf32, #tpu.memory_space<hbm>> -> memref<400x32xf32, #tpu.memory_space<hbm>>
        %dma_start3A_41 = arith.constant 9600 : i32
        %dma_start3A_42 = arith.constant 0 : i32
        %dma_start3A_43 = tpu.memref_slice %arg11[%dma_start3A_41, %dma_start3A_42] : memref<10000x32xf32, #tpu.memory_space<vmem_shared>> -> memref<400x32xf32, #tpu.memory_space<vmem_shared>>
        tpu.enqueue_dma source(%dma_start3A_43 : memref<400x32xf32, #tpu.memory_space<vmem_shared>>) target(%dma_start3A_40 : memref<400x32xf32, #tpu.memory_space<hbm>>) target_semaphore(%run_scoped3A : memref<!tpu.dma_semaphore, #tpu.memory_space<semaphore_mem>>)
        %dma_wait3A = arith.constant 9600 : i32
        %dma_wait3A_44 = arith.constant 0 : i32
        %dma_wait3A_45 = tpu.memref_slice %arg6[%arg0, %dma_wait3A, %dma_wait3A_44] : memref<2x10000x32xf32, #tpu.memory_space<hbm>> -> memref<1x400x32xf32, #tpu.memory_space<hbm>>
        %dma_wait3A_46 = tpu.memref_squeeze %dma_wait3A_45 : memref<1x400x32xf32, #tpu.memory_space<hbm>> -> memref<400x32xf32, #tpu.memory_space<hbm>>
        %dma_wait3A_47 = arith.constant 9600 : i32
        %dma_wait3A_48 = arith.constant 0 : i32
        %dma_wait3A_49 = tpu.memref_slice %arg11[%dma_wait3A_47, %dma_wait3A_48] : memref<10000x32xf32, #tpu.memory_space<vmem_shared>> -> memref<400x32xf32, #tpu.memory_space<vmem_shared>>
        tpu.wait_dma2 semaphore(%run_scoped3A : memref<!tpu.dma_semaphore, #tpu.memory_space<semaphore_mem>>) src(%dma_wait3A_49 : memref<400x32xf32, #tpu.memory_space<vmem_shared>>) dst(%dma_wait3A_46 : memref<400x32xf32, #tpu.memory_space<hbm>>)
        tpu.yield
      }) : () -> ()
      "tpu.region"() ({
        %run_scoped3A = tpu.sem_alloc : memref<!tpu.dma_semaphore, #tpu.memory_space<semaphore_mem>>
        %dma_start3A = arith.constant 9600 : i32
        %dma_start3A_38 = arith.constant 0 : i32
        %dma_start3A_39 = tpu.memref_slice %arg7[%arg0, %dma_start3A, %dma_start3A_38] : memref<2x10000x32xf32, #tpu.memory_space<hbm>> -> memref<1x400x32xf32, #tpu.memory_space<hbm>>
        %dma_start3A_40 = tpu.memref_squeeze %dma_start3A_39 : memref<1x400x32xf32, #tpu.memory_space<hbm>> -> memref<400x32xf32, #tpu.memory_space<hbm>>
        %dma_start3A_41 = arith.constant 9600 : i32
        %dma_start3A_42 = arith.constant 0 : i32
        %dma_start3A_43 = tpu.memref_slice %arg12[%dma_start3A_41, %dma_start3A_42] : memref<10000x32xf32, #tpu.memory_space<vmem_shared>> -> memref<400x32xf32, #tpu.memory_space<vmem_shared>>
        tpu.enqueue_dma source(%dma_start3A_43 : memref<400x32xf32, #tpu.memory_space<vmem_shared>>) target(%dma_start3A_40 : memref<400x32xf32, #tpu.memory_space<hbm>>) target_semaphore(%run_scoped3A : memref<!tpu.dma_semaphore, #tpu.memory_space<semaphore_mem>>)
        %dma_wait3A = arith.constant 9600 : i32
        %dma_wait3A_44 = arith.constant 0 : i32
        %dma_wait3A_45 = tpu.memref_slice %arg7[%arg0, %dma_wait3A, %dma_wait3A_44] : memref<2x10000x32xf32, #tpu.memory_space<hbm>> -> memref<1x400x32xf32, #tpu.memory_space<hbm>>
        %dma_wait3A_46 = tpu.memref_squeeze %dma_wait3A_45 : memref<1x400x32xf32, #tpu.memory_space<hbm>> -> memref<400x32xf32, #tpu.memory_space<hbm>>
        %dma_wait3A_47 = arith.constant 9600 : i32
        %dma_wait3A_48 = arith.constant 0 : i32
        %dma_wait3A_49 = tpu.memref_slice %arg12[%dma_wait3A_47, %dma_wait3A_48] : memref<10000x32xf32, #tpu.memory_space<vmem_shared>> -> memref<400x32xf32, #tpu.memory_space<vmem_shared>>
        tpu.wait_dma2 semaphore(%run_scoped3A : memref<!tpu.dma_semaphore, #tpu.memory_space<semaphore_mem>>) src(%dma_wait3A_49 : memref<400x32xf32, #tpu.memory_space<vmem_shared>>) dst(%dma_wait3A_46 : memref<400x32xf32, #tpu.memory_space<hbm>>)
        tpu.yield
      }) : () -> ()
    } else {
    }
    return
  }
}

module attributes {stable_mosaic.version = 14 : i64} {
  func.func @_edge_mm_body(%arg0: i32, %arg1: memref<800x64xf32, #tpu.memory_space<vmem>>, %arg2: memref<102400xf32, #tpu.memory_space<vmem>>, %arg3: memref<128x2048xf32, #tpu.memory_space<vmem>>, %arg4: memref<128x128xf32, #tpu.memory_space<vmem>>, %arg5: memref<64x2048xf32, #tpu.memory_space<vmem>>, %arg6: memref<2048x128xf32, #tpu.memory_space<vmem>>, %arg7: memref<800x128xf32, #tpu.memory_space<vmem>>) attributes {dimension_semantics = [#tpu.dimension_semantics<arbitrary>], iteration_bounds = array<i64: 50>, scalar_prefetch = 0 : i64, scratch_operands = 0 : i64, tpu.core_type = #tpu.core_type<tc>, window_params = [{transform_indices = @transform_0, window_bounds = array<i64: 800, 64>}, {transform_indices = @transform_1, window_bounds = array<i64: 102400>}, {pipeline_mode = #tpu.pipeline_mode<synchronous>, transform_indices = @transform_2, window_bounds = array<i64: 128, 2048>}, {pipeline_mode = #tpu.pipeline_mode<synchronous>, transform_indices = @transform_3, window_bounds = array<i64: 128, 128>}, {pipeline_mode = #tpu.pipeline_mode<synchronous>, transform_indices = @transform_4, window_bounds = array<i64: 64, 2048>}, {pipeline_mode = #tpu.pipeline_mode<synchronous>, transform_indices = @transform_5, window_bounds = array<i64: 2048, 128>}, {transform_indices = @transform_6, window_bounds = array<i64: 800, 128>}]} {
    %get3A = arith.constant 0 : index
    %get3A_0 = vector.load %arg2[%get3A] : memref<102400xf32, #tpu.memory_space<vmem>>, vector<102400xf32>
    %reshape3A = vector.shape_cast %get3A_0 : vector<102400xf32> to vector<800x128xf32>
    %get3A_1 = arith.constant 0 : index
    %get3A_2 = arith.constant 0 : index
    %get3A_3 = vector.load %arg3[%get3A_1, %get3A_2] : memref<128x2048xf32, #tpu.memory_space<vmem>>, vector<128x2048xf32>
    %dot_general3A = arith.constant dense<0.000000e+00> : vector<800x2048xf32>
    %dot_general3A_4 = tpu.matmul %reshape3A, %get3A_3, %dot_general3A {dimension_numbers = #tpu.dot_dimension_numbers<[1], [0], [0], [1], [0, 0, 1, 1], [], []>, transpose_lhs_hint = false} : vector<800x128xf32>, vector<128x2048xf32>, vector<800x2048xf32> -> vector<800x2048xf32>
    %get3A_5 = arith.constant 0 : index
    %get3A_6 = arith.constant 0 : index
    %get3A_7 = vector.load %arg1[%get3A_5, %get3A_6] : memref<800x64xf32, #tpu.memory_space<vmem>>, vector<800x64xf32>
    %get3A_8 = arith.constant 0 : index
    %get3A_9 = arith.constant 0 : index
    %get3A_10 = vector.load %arg5[%get3A_8, %get3A_9] : memref<64x2048xf32, #tpu.memory_space<vmem>>, vector<64x2048xf32>
    %dot_general3A_11 = arith.constant dense<0.000000e+00> : vector<800x2048xf32>
    %dot_general3A_12 = tpu.matmul %get3A_7, %get3A_10, %dot_general3A_11 {dimension_numbers = #tpu.dot_dimension_numbers<[1], [0], [0], [1], [0, 0, 1, 1], [], []>, transpose_lhs_hint = false} : vector<800x64xf32>, vector<64x2048xf32>, vector<800x2048xf32> -> vector<800x2048xf32>
    %mul3A = arith.mulf %dot_general3A_4, %dot_general3A_12 : vector<800x2048xf32>
    %get3A_13 = arith.constant 0 : index
    %get3A_14 = arith.constant 0 : index
    %get3A_15 = vector.load %arg6[%get3A_13, %get3A_14] : memref<2048x128xf32, #tpu.memory_space<vmem>>, vector<2048x128xf32>
    %dot_general3A_16 = arith.constant dense<0.000000e+00> : vector<800x128xf32>
    %dot_general3A_17 = tpu.matmul %mul3A, %get3A_15, %dot_general3A_16 {dimension_numbers = #tpu.dot_dimension_numbers<[1], [0], [0], [1], [0, 0, 1, 1], [], []>, transpose_lhs_hint = false} : vector<800x2048xf32>, vector<2048x128xf32>, vector<800x128xf32> -> vector<800x128xf32>
    %get3A_18 = arith.constant 0 : index
    %get3A_19 = arith.constant 0 : index
    %get3A_20 = vector.load %arg4[%get3A_18, %get3A_19] : memref<128x128xf32, #tpu.memory_space<vmem>>, vector<128x128xf32>
    %dot_general3A_21 = arith.constant dense<0.000000e+00> : vector<800x128xf32>
    %dot_general3A_22 = tpu.matmul %reshape3A, %get3A_20, %dot_general3A_21 {dimension_numbers = #tpu.dot_dimension_numbers<[1], [0], [0], [1], [0, 0, 1, 1], [], []>, transpose_lhs_hint = false} : vector<800x128xf32>, vector<128x128xf32>, vector<800x128xf32> -> vector<800x128xf32>
    %add3A = arith.addf %dot_general3A_17, %dot_general3A_22 : vector<800x128xf32>
    %swap3A = arith.constant 0 : index
    %swap3A_23 = arith.constant 0 : index
    %swap3A_24 = vector.load %arg7[%swap3A, %swap3A_23] : memref<800x128xf32, #tpu.memory_space<vmem>>, vector<800x128xf32>
    tpu.vector_store %arg7[%swap3A, %swap3A_23], %add3A {strides = array<i32>} : memref<800x128xf32, #tpu.memory_space<vmem>>, vector<800x128xf32>,
    return
  }
  func.func @transform_0(%arg0: i32) -> (i32, i32) {
    %c0_i32 = arith.constant 0 : i32
    %c0_i32_0 = arith.constant 0 : i32
    return %arg0, %c0_i32 : i32, i32
  }
  func.func @transform_1(%arg0: i32) -> i32 {
    %c0_i32 = arith.constant 0 : i32
    return %arg0 : i32
  }
  func.func @transform_2(%arg0: i32) -> (i32, i32) {
    %c0_i32 = arith.constant 0 : i32
    %c0_i32_0 = arith.constant 0 : i32
    %c0_i32_1 = arith.constant 0 : i32
    return %c0_i32, %c0_i32_0 : i32, i32
  }
  func.func @transform_3(%arg0: i32) -> (i32, i32) {
    %c0_i32 = arith.constant 0 : i32
    %c0_i32_0 = arith.constant 0 : i32
    %c0_i32_1 = arith.constant 0 : i32
    return %c0_i32, %c0_i32_0 : i32, i32
  }
  func.func @transform_4(%arg0: i32) -> (i32, i32) {
    %c0_i32 = arith.constant 0 : i32
    %c0_i32_0 = arith.constant 0 : i32
    %c0_i32_1 = arith.constant 0 : i32
    return %c0_i32, %c0_i32_0 : i32, i32
  }
  func.func @transform_5(%arg0: i32) -> (i32, i32) {
    %c0_i32 = arith.constant 0 : i32
    %c0_i32_0 = arith.constant 0 : i32
    %c0_i32_1 = arith.constant 0 : i32
    return %c0_i32, %c0_i32_0 : i32, i32
  }
  func.func @transform_6(%arg0: i32) -> (i32, i32) {
    %c0_i32 = arith.constant 0 : i32
    %c0_i32_0 = arith.constant 0 : i32
    return %arg0, %c0_i32 : i32, i32
  }
}

module attributes {stable_mosaic.version = 14 : i64} {
  func.func @_finalize_body(%arg0: memref<2x2500x128xf32, #tpu.memory_space<vmem>>, %arg1: memref<2x2500x128xf32, #tpu.memory_space<vmem>>, %arg2: memref<2500x128xf32, #tpu.memory_space<vmem>>, %arg3: memref<128x128xf32, #tpu.memory_space<vmem>>, %arg4: memref<1x128xf32, #tpu.memory_space<vmem>>, %arg5: memref<1x128xf32, #tpu.memory_space<vmem>>, %arg6: memref<1x128xf32, #tpu.memory_space<vmem>>, %arg7: memref<2500x128xf32, #tpu.memory_space<vmem>>) attributes {dimension_semantics = [], scalar_prefetch = 0 : i64, scratch_operands = 0 : i64, tpu.core_type = #tpu.core_type<tc>} {
    %get3A = arith.constant 0 : index
    %get3A_0 = arith.constant 0 : index
    %get3A_1 = arith.constant 0 : index
    %get3A_2 = vector.load %arg0[%get3A, %get3A_0, %get3A_1] : memref<2x2500x128xf32, #tpu.memory_space<vmem>>, vector<1x2500x128xf32>
    %get3A_3 = vector.shape_cast %get3A_2 : vector<1x2500x128xf32> to vector<2500x128xf32>
    %get3A_4 = arith.constant 1 : index
    %get3A_5 = arith.constant 0 : index
    %get3A_6 = arith.constant 0 : index
    %get3A_7 = vector.load %arg0[%get3A_4, %get3A_5, %get3A_6] : memref<2x2500x128xf32, #tpu.memory_space<vmem>>, vector<1x2500x128xf32>
    %get3A_8 = vector.shape_cast %get3A_7 : vector<1x2500x128xf32> to vector<2500x128xf32>
    %add3A = arith.addf %get3A_3, %get3A_8 : vector<2500x128xf32>
    %get3A_9 = arith.constant 0 : index
    %get3A_10 = arith.constant 0 : index
    %get3A_11 = arith.constant 0 : index
    %get3A_12 = vector.load %arg1[%get3A_9, %get3A_10, %get3A_11] : memref<2x2500x128xf32, #tpu.memory_space<vmem>>, vector<1x2500x128xf32>
    %get3A_13 = vector.shape_cast %get3A_12 : vector<1x2500x128xf32> to vector<2500x128xf32>
    %get3A_14 = arith.constant 1 : index
    %get3A_15 = arith.constant 0 : index
    %get3A_16 = arith.constant 0 : index
    %get3A_17 = vector.load %arg1[%get3A_14, %get3A_15, %get3A_16] : memref<2x2500x128xf32, #tpu.memory_space<vmem>>, vector<1x2500x128xf32>
    %get3A_18 = vector.shape_cast %get3A_17 : vector<1x2500x128xf32> to vector<2500x128xf32>
    %add3A_19 = arith.addf %get3A_13, %get3A_18 : vector<2500x128xf32>
    %max3A = arith.constant 1.000000e+00 : f32
    %max3A_20 = vector.broadcast %max3A : f32 to vector<2500x128xf32>
    %max3A_21 = arith.maximumf %add3A_19, %max3A_20 : vector<2500x128xf32>
    %div3A = arith.divf %add3A, %max3A_21 : vector<2500x128xf32>
    %get3A_22 = arith.constant 0 : index
    %get3A_23 = arith.constant 0 : index
    %get3A_24 = vector.load %arg2[%get3A_22, %get3A_23] : memref<2500x128xf32, #tpu.memory_space<vmem>>, vector<2500x128xf32>
    %get3A_25 = arith.constant 0 : index
    %get3A_26 = arith.constant 0 : index
    %get3A_27 = vector.load %arg3[%get3A_25, %get3A_26] : memref<128x128xf32, #tpu.memory_space<vmem>>, vector<128x128xf32>
    %dot_general3A = arith.constant dense<0.000000e+00> : vector<2500x128xf32>
    %dot_general3A_28 = tpu.matmul %get3A_24, %get3A_27, %dot_general3A {dimension_numbers = #tpu.dot_dimension_numbers<[1], [0], [0], [1], [0, 0, 1, 1], [], []>, transpose_lhs_hint = false} : vector<2500x128xf32>, vector<128x128xf32>, vector<2500x128xf32> -> vector<2500x128xf32>
    %add3A_29 = arith.addf %div3A, %dot_general3A_28 : vector<2500x128xf32>
    %get3A_30 = arith.constant 0 : index
    %get3A_31 = arith.constant 0 : index
    %get3A_32 = vector.load %arg4[%get3A_30, %get3A_31] : memref<1x128xf32, #tpu.memory_space<vmem>>, vector<1x128xf32>
    %add3A_33 = vector.broadcast %get3A_32 : vector<1x128xf32> to vector<2500x128xf32>
    %add3A_34 = arith.addf %add3A_29, %add3A_33 : vector<2500x128xf32>
    %reduce_sum3A = arith.constant dense<0.000000e+00> : vector<128xf32>
    %reduce_sum3A_35 = vector.multi_reduction <add>, %add3A_34, %reduce_sum3A [0] : vector<2500x128xf32> to vector<128xf32>
    %broadcast_in_dim3A = vector.shape_cast %reduce_sum3A_35 : vector<128xf32> to vector<1x128xf32>
    %slice3A = vector.extract_strided_slice %broadcast_in_dim3A {offsets = [0, 0], sizes = [1, 32], strides = [1, 1]} : vector<1x128xf32> to vector<1x32xf32>
    %slice3A_36 = vector.extract_strided_slice %broadcast_in_dim3A {offsets = [0, 32], sizes = [1, 32], strides = [1, 1]} : vector<1x128xf32> to vector<1x32xf32>
    %add3A_37 = arith.addf %slice3A, %slice3A_36 : vector<1x32xf32>
    %slice3A_38 = vector.extract_strided_slice %broadcast_in_dim3A {offsets = [0, 64], sizes = [1, 32], strides = [1, 1]} : vector<1x128xf32> to vector<1x32xf32>
    %add3A_39 = arith.addf %add3A_37, %slice3A_38 : vector<1x32xf32>
    %slice3A_40 = vector.extract_strided_slice %broadcast_in_dim3A {offsets = [0, 96], sizes = [1, 32], strides = [1, 1]} : vector<1x128xf32> to vector<1x32xf32>
    %add3A_41 = arith.addf %add3A_39, %slice3A_40 : vector<1x32xf32>
    %div3A_42 = arith.constant 1.000000e+04 : f32
    %div3A_43 = vector.broadcast %div3A_42 : f32 to vector<1x32xf32>
    %div3A_44 = arith.divf %add3A_41, %div3A_43 : vector<1x32xf32>
    %concatenate3A = tpu.concatenate %div3A_44, %div3A_44, %div3A_44, %div3A_44 in 1 : vector<1x32xf32>, vector<1x32xf32>, vector<1x32xf32>, vector<1x32xf32> -> vector<1x128xf32>
    %sub3A = vector.broadcast %concatenate3A : vector<1x128xf32> to vector<2500x128xf32>
    %sub3A_45 = arith.subf %add3A_34, %sub3A : vector<2500x128xf32>
    %mul3A = arith.mulf %sub3A_45, %sub3A_45 : vector<2500x128xf32>
    %reduce_sum3A_46 = arith.constant dense<0.000000e+00> : vector<128xf32>
    %reduce_sum3A_47 = vector.multi_reduction <add>, %mul3A, %reduce_sum3A_46 [0] : vector<2500x128xf32> to vector<128xf32>
    %broadcast_in_dim3A_48 = vector.shape_cast %reduce_sum3A_47 : vector<128xf32> to vector<1x128xf32>
    %slice3A_49 = vector.extract_strided_slice %broadcast_in_dim3A_48 {offsets = [0, 0], sizes = [1, 32], strides = [1, 1]} : vector<1x128xf32> to vector<1x32xf32>
    %slice3A_50 = vector.extract_strided_slice %broadcast_in_dim3A_48 {offsets = [0, 32], sizes = [1, 32], strides = [1, 1]} : vector<1x128xf32> to vector<1x32xf32>
    %add3A_51 = arith.addf %slice3A_49, %slice3A_50 : vector<1x32xf32>
    %slice3A_52 = vector.extract_strided_slice %broadcast_in_dim3A_48 {offsets = [0, 64], sizes = [1, 32], strides = [1, 1]} : vector<1x128xf32> to vector<1x32xf32>
    %add3A_53 = arith.addf %add3A_51, %slice3A_52 : vector<1x32xf32>
    %slice3A_54 = vector.extract_strided_slice %broadcast_in_dim3A_48 {offsets = [0, 96], sizes = [1, 32], strides = [1, 1]} : vector<1x128xf32> to vector<1x32xf32>
    %add3A_55 = arith.addf %add3A_53, %slice3A_54 : vector<1x32xf32>
    %div3A_56 = arith.constant 1.000000e+04 : f32
    %div3A_57 = vector.broadcast %div3A_56 : f32 to vector<1x32xf32>
    %div3A_58 = arith.divf %add3A_55, %div3A_57 : vector<1x32xf32>
    %concatenate3A_59 = tpu.concatenate %div3A_58, %div3A_58, %div3A_58, %div3A_58 in 1 : vector<1x32xf32>, vector<1x32xf32>, vector<1x32xf32>, vector<1x32xf32> -> vector<1x128xf32>
    %add3A_60 = arith.constant 9.99999974E-6 : f32
    %add3A_61 = vector.broadcast %add3A_60 : f32 to vector<1x128xf32>
    %add3A_62 = arith.addf %concatenate3A_59, %add3A_61 : vector<1x128xf32>
    %rsqrt3A = math.rsqrt %add3A_62 : vector<1x128xf32>
    %mul3A_63 = vector.broadcast %rsqrt3A : vector<1x128xf32> to vector<2500x128xf32>
    %mul3A_64 = arith.mulf %sub3A_45, %mul3A_63 : vector<2500x128xf32>
    %get3A_65 = arith.constant 0 : index
    %get3A_66 = arith.constant 0 : index
    %get3A_67 = vector.load %arg5[%get3A_65, %get3A_66] : memref<1x128xf32, #tpu.memory_space<vmem>>, vector<1x128xf32>
    %mul3A_68 = vector.broadcast %get3A_67 : vector<1x128xf32> to vector<2500x128xf32>
    %mul3A_69 = arith.mulf %mul3A_64, %mul3A_68 : vector<2500x128xf32>
    %get3A_70 = arith.constant 0 : index
    %get3A_71 = arith.constant 0 : index
    %get3A_72 = vector.load %arg6[%get3A_70, %get3A_71] : memref<1x128xf32, #tpu.memory_space<vmem>>, vector<1x128xf32>
    %add3A_73 = vector.broadcast %get3A_72 : vector<1x128xf32> to vector<2500x128xf32>
    %add3A_74 = arith.addf %mul3A_69, %add3A_73 : vector<2500x128xf32>
    %ge3A = arith.constant 0.000000e+00 : f32
    %ge3A_75 = vector.broadcast %ge3A : f32 to vector<2500x128xf32>
    %ge3A_76 = arith.cmpf oge, %add3A_74, %ge3A_75 : vector<2500x128xf32>
    %mul3A_77 = arith.constant 0.00999999977 : f32
    %mul3A_78 = vector.broadcast %mul3A_77 : f32 to vector<2500x128xf32>
    %mul3A_79 = arith.mulf %mul3A_78, %add3A_74 : vector<2500x128xf32>
    %select_n3A = arith.select %ge3A_76, %add3A_74, %mul3A_79 : vector<2500x128xi1>, vector<2500x128xf32>
    %swap3A = arith.constant 0 : index
    %swap3A_80 = arith.constant 0 : index
    %swap3A_81 = vector.load %arg7[%swap3A, %swap3A_80] : memref<2500x128xf32, #tpu.memory_space<vmem>>, vector<2500x128xf32>
    tpu.vector_store %arg7[%swap3A, %swap3A_80], %select_n3A {strides = array<i32>} : memref<2500x128xf32, #tpu.memory_space<vmem>>, vector<2500x128xf32>,
    return
  }
}

</mosaic_0001>

<sc_bundles>
// kernel: kernel.6.cloned.1.call-start
scs
__scs_entry_jumppad:
0x0: {  	(pc) =	sbr.rel $0x88, $3  }
0x1: {  	(tag) =	ssettag $0x0;
	lr =	simm.s32 $0x1  }
0x2: {  	[smem:$0x3F98] =	sst lr;
	_ =	strace $0xD0000000  }
0x3: {  	_ = 	snop  }
0x4: {  	_ = 	snop  }
0x5: {  	_ = 	snop  }
0x6: {  	_ = 	snop  }
0x7: {  	_ = 	snop  }
__scs_overlays_trampoline_lowered:
0x8: {  	[smem:$0x3FA7] =	sst s0  }
0x9: {  	[smem:$0x3FA8] =	sst s1  }
0xa: {  	[smem:$0x3FA9] =	sst s2  }
0xb: {  	[smem:$0x3FAA] =	sst s3  }
0xc: {  	[smem:$0x3FAB] =	sst s4  }
0xd: {  	[smem:$0x3FAC] =	sst s5  }
0xe: {  	[smem:$0x3FAD] =	sst s6  }
0xf: {  	[smem:$0x3FAE] =	sst s7  }
0x10: {  	[smem:$0x3FAF] =	sst s8  }
0x11: {  	[smem:$0x3FB0] =	sst s9;
	s0 =	simm.s32 @!p0 $0x0  }
0x12: {  	s1 =	sld [smem:$0x3F96];
	s0 =	simm.s32 @p0 $0x1  }
0x13: {  	[smem:$0x3FB1] =	sst s0;
	s0 =	simm.s32 @!p1 $0x0  }
0x14: {  	s2 =	sld [smem:$0x3F95];
	s0 =	simm.s32 @p1 $0x1  }
0x15: {  	[smem:$0x3FB2] =	sst s0;
	s0 =	simm.s32 @!p2 $0x0  }
0x16: {  	s3 =	sld [smem:$0x3FDB];
	s0 =	simm.s32 @p2 $0x1  }
0x17: {  	s4 =	simm.s32 $0x1BF5;
	[smem:$0x3FB4] =	sst s0  }
0x18: {  	s0 =	sld [smem:$0x3F97];
	_ =	swait.ge [sflag:s4], $0x0  }
0x19: {  	s7 =	sld [smem:$0x3F98]  }
0x1a: {  	s8 =	sadd.s32 $0xFFFFE003, lr  }
0x1b: {  	s9 =	sadd.s32 $0xFFFFFEF7, lr;
	s5 =	simm.s32 $0xFFFFFFFF;
	p2 =	slt.u32 s8, $0xFFFFF086  }
0x1c: {  	p1 =	slt.u32 s9, $0xF7A;
	s5 =	simm.s32 @!p2 $0x0  }
0x1d: {  	s5 =	simm.s32 @p1 $0x1;
	p0 =	seq.s32 s7, s2  }
0x1e: {  	s7 =	smul.u32 @!p0 $0xF7A, s2;
	p2 =	seq.s32 @!p0 s5, $0x0  }
0x1f: {  	s9 =	smul.u32 $0xF7A, s1;
	s8 =	simm.s32 @!p0 $0x1BF5;
	p2 =	por !p2, p0  }
0x20: {  	[sflag:s8] =	ssyncset.s32 @!p0 $0xFFFFF086;
	s6 =	sadd.s32 @!p0 s3, s7;
	s7 =	simm.s32 @!p0 $0x108  }
0x21: {  	s3 =	sadd.s32 s3, s9;
	s6 =	sadd.s32 @!p0 $0x88, s6;
	s7 =	simm.s32 @p2 $0x1082  }
0x22: {  	[simem:s7], [sflag:s8] =	dma.local @!p0 [hbm:s6], $0xF7A  }
0x23: {  	s9 =	sor.u32 $0xD0000000, s2;
	s6 =	simm.s32 $0x108;
	_ =	swait.ge @!p0 [sflag:s8], $0x0  }
0x24: {  	s3 =	sadd.s32 $0x88, s3;
	s6 =	simm.s32 @!p1 $0x1082;
	[sflag:s4] =	ssyncset.s32 $0xFFFFF086  }
0x25: {  	[simem:s6], [sflag:s4] =	dma.local [hbm:s3], $0xF7A  }
0x26: {  	[smem:$0x3F98] =	sst s1;
	(tag) =	ssettag s2;
	_ =	strace s9  }
0x27: {  	s1 =	sld [smem:$0x3FA8]  }
0x28: {  	s2 =	sld [smem:$0x3FA9]  }
0x29: {  	s4 =	sld [smem:$0x3FAB]  }
0x2a: {  	p0 =	seq.s32 s5, $0x0;
	s5 =	sld [smem:$0x3FAC]  }
0x2b: {  	s6 =	sld [smem:$0x3FAD]  }
0x2c: {  	s7 =	sld [smem:$0x3FAE]  }
0x2d: {  	s3 =	simm.s32 $0x108;
	s8 =	sld [smem:$0x3FAF]  }
0x2e: {  	s3 =	simm.s32 @!p0 $0x1082;
	s9 =	sld [smem:$0x3FB0]  }
0x2f: {  	lr =	sadd.s32 s0, s3;
	s0 =	sld [smem:$0x3FA7]  }
0x30: {  	s3 =	sld [smem:$0x3FAA]  }
0x31: {  	[smem:$0x3FB3] =	sst s10  }
0x32: {  	s10 =	sld [smem:$0x3FB1];
	_ =	sdelay $0x3  }
0x33: {  	p0 =	seq.s32 s10, $0x1;
	s10 =	sld [smem:$0x3FB3];
	_ =	sdelay $0x3  }
0x34: {  	[smem:$0x3FB3] =	sst s10  }
0x35: {  	s10 =	sld [smem:$0x3FB2];
	_ =	sdelay $0x3  }
0x36: {  	p1 =	seq.s32 s10, $0x1;
	s10 =	sld [smem:$0x3FB3];
	_ =	sdelay $0x3  }
0x37: {  	[smem:$0x3FB3] =	sst s10  }
0x38: {  	s10 =	sld [smem:$0x3FB4]  }
0x39: {  	_ = 	snop;
	(pc) =	sbr.ind lr, $3  }
0x3a: {  	_ = 	snop  }
0x3b: {  	_ = 	snop  }
0x3c: {  	p2 =	seq.s32 s10, $0x1;
	s10 =	sld [smem:$0x3FB3]  }
0x3d: {  	_ =	shalt  }
0x3e: {  	_ =	shalt  }
0x3f: {  	_ =	shalt  }
0x40: {  	_ =	shalt  }
0x41: {  	_ =	shalt  }
0x42: {  	_ =	shalt  }
0x43: {  	_ =	shalt  }
0x44: {  	_ =	shalt  }
0x45: {  	_ =	shalt  }
0x46: {  	_ =	shalt  }
0x47: {  	_ =	shalt  }
0x48: {  	_ =	shalt  }
0x49: {  	_ =	shalt  }
0x4a: {  	_ =	shalt  }
0x4b: {  	_ =	shalt  }
0x4c: {  	_ =	shalt  }
0x4d: {  	_ =	shalt  }
0x4e: {  	_ =	shalt  }
0x4f: {  	_ =	shalt  }
0x50: {  	_ =	shalt  }
0x51: {  	_ =	shalt  }
0x52: {  	_ =	shalt  }
0x53: {  	_ =	shalt  }
0x54: {  	_ =	shalt  }
0x55: {  	_ =	shalt  }
0x56: {  	_ =	shalt  }
0x57: {  	_ =	shalt  }
0x58: {  	_ =	shalt  }
0x59: {  	_ =	shalt  }
0x5a: {  	_ =	shalt  }
0x5b: {  	_ =	shalt  }
0x5c: {  	_ =	shalt  }
0x5d: {  	_ =	shalt  }
0x5e: {  	_ =	shalt  }
0x5f: {  	_ =	shalt  }
0x60: {  	_ =	shalt  }
0x61: {  	_ =	shalt  }
0x62: {  	_ =	shalt  }
0x63: {  	_ =	shalt  }
0x64: {  	_ =	shalt  }
0x65: {  	_ =	shalt  }
0x66: {  	_ =	shalt  }
0x67: {  	_ =	shalt  }
0x68: {  	_ =	shalt  }
0x69: {  	_ =	shalt  }
0x6a: {  	_ =	shalt  }
0x6b: {  	_ =	shalt  }
0x6c: {  	_ =	shalt  }
0x6d: {  	_ =	shalt  }
0x6e: {  	_ =	shalt  }
0x6f: {  	_ =	shalt  }
0x70: {  	_ =	shalt  }
0x71: {  	_ =	shalt  }
0x72: {  	_ =	shalt  }
0x73: {  	_ =	shalt  }
0x74: {  	_ =	shalt  }
0x75: {  	_ =	shalt  }
0x76: {  	_ =	shalt  }
0x77: {  	_ =	shalt  }
0x78: {  	_ =	shalt  }
0x79: {  	_ =	shalt  }
0x7a: {  	_ =	shalt  }
0x7b: {  	_ =	shalt  }
0x7c: {  	_ =	shalt  }
0x7d: {  	_ =	shalt  }
0x7e: {  	_ =	shalt  }
0x7f: {  	_ =	shalt  }
0x80: {  	_ =	shalt  }
0x81: {  	_ =	shalt  }
0x82: {  	_ =	shalt  }
0x83: {  	_ =	shalt  }
0x84: {  	_ =	shalt  }
0x85: {  	_ =	shalt  }
0x86: {  	_ =	shalt  }
0x87: {  	_ =	shalt  }
.Lfunc_end0:
.L_simem_size_0:
called_computation_lowered:
.L_overlay_start_0:
0x88: {  	s2 =	sld [smem:$0x3FD9]  }
0x89: {  	s3 =	sld [smem:$0x3FFE];
	_ =	sdelay $0x1  }
0x8a: {  	s1 =	srdreg.scid  }
0x8b: {  	s0 =	sand.u32 $0x1, s1  }
0x8c: {  	s14 =	sshll.u32 s0, $0xA;
	s2 =	sadd.s32 s3, s2  }
0x8d: {  	s2 =	sadd.s32 s2, s14  }
0x8e: {  	[smem:$0x3FBF] =	sst s2  }
0x8f: {  	_ = 	snop  }
0x90: {  	s2 =	sld [smem:$0x3FD0];
	_ =	sdelay $0x2  }
0x91: {  	s15 =	simm.s32 $0xA;
	s4 =	simm.s32 $0x10  }
0x92: {  	[smem:s4], [sflag:s15] =	dma.local [hbm:s2], $0x1  }
0x93: {  	_ =	swait.eq [sflag:s15], $0x1  }
0x94: {  	[sflag:s15] =	ssyncset.done $0x0  }
0x95: {  	s16 =	sld [smem:$0x10];
	[sflag:s15] =	ssyncadd.s32 $0xFFFFFFFF  }
0x96: {  	s17 =	sld [smem:$0x12];
	(tm) =	ssettm $0x1  }
0x97: {  	s18 =	sld [smem:$0x3FFB];
	_ =	sdelay $0x3  }
0x98: {  	_ =	strace s18  }
0x99: {  	s4 =	sld [smem:$0x3FFC];
	_ =	sdelay $0x3  }
0x9a: {  	_ =	strace s4  }
0x9b: {  	s4 =	sld [smem:$0x3FFD];
	_ =	sdelay $0x3  }
0x9c: {  	_ =	strace s4  }
0x9d: {  	_ =	strace $0x8FFFFFFF  }
0x9e: {  	s19 =	sld [smem:$0x3FDB];
	_ =	sdelay $0x1  }
0x9f: {  	s5 =	simm.s32 $_scs_section_size  }
0xa0: {  	s6 =	simm.s32 $_size__tile_overlayer_lowered;
	s7 =	simm.s32 $_tile_overlayer_lowered  }
0xa1: {  	s22 =	simm.s32 $0x1BFF;
	s21 =	sshll.u32 s7, $0x1;
	s4 =	sadd.s32 s5, s19  }
0xa2: {  	s8 =	simm.s32 $0x0;
	s20 =	sshll.u32 s6, $0x1;
	s6 =	sadd.s32 s21, s4  }
0xa3: {  	[timem:s8], [sflag:s22] =	dma.local [hbm:s6], s20  }
0xa4: {  	_ =	swait.ge [sflag:s22], s20  }
0xa5: {  	s5 =	ssub.s32 $0x0, s20;
	[sflag:s22] =	ssyncset.done $0x0  }
0xa6: {  	[sflag:s22] =	ssyncadd.s32 s5;
	_ =	sdelay $0x1  }
0xa7: {  	s23 =	simm.s32 $0x1B8B  }
0xa8: {  	_ =	swait.ge [sflag:s23], $0x1  }
0xa9: {  	[sflag:s23] =	ssyncset.done $0x0  }
0xaa: {  	s25 =	simm.s32 $0x1B8E;
	s24 =	sld [smem:$0x3FFE];
	[sflag:s23] =	ssyncadd.s32 $0xFFFFFFFF  }
0xab: {  	s26 =	simm.s32 $execute0_lowered;
	[smem:$0x3FD2] =	sst s25  }
0xac: {  	s6 =	sshll.u32 s26, $0x1;
	_ =	strace $0x80000046;
	[dreg:$0x1] =	wrdreg $0xFFFFFFFF  }
0xad: {  	s28 =	simm.s32 $_size_execute0_lowered;
	s4 =	sadd.s32 s4, s6;
	[dreg:$0x0] =	wrdreg $0x0  }
0xae: {  	s6 =	sshll.u32 s28, $0x1;
	[dreg:$0x2] =	wrdreg s4  }
0xaf: {  	[dreg:$0x3] =	wrdreg s6  }
0xb0: {  	[dreg:$0x4] =	wrdreg $0xC0  }
0xb1: {  	_ =	task [dreg:s8], $0x5FFFF  }
0xb2: {  	[dreg:$0x1] =	wrdreg $0xFFFFFFFF  }
0xb3: {  	[dreg:$0x0] =	wrdreg $0x60  }
0xb4: {  	[dreg:$0x2] =	wrdreg s16  }
0xb5: {  	[dreg:$0x3] =	wrdreg s17  }
0xb6: {  	[dreg:$0x4] =	wrdreg s24  }
0xb7: {  	[dreg:$0x5] =	wrdreg $0x9  }
0xb8: {  	_ =	task.clear_ibuf [dreg:s8], $0x6FFFF;
	_ =	strace $0x90000046  }
0xb9: {  	s29 =	simm.s32 $0x9;
	_ =	strace $0x80000048  }
0xba: {  	_ =	swait.ge [sflag:s29], $0x1  }
0xbb: {  	[sflag:s29] =	ssyncadd.s32 $0xFFFFFFFF  }
0xbc: {  	_ =	strace $0x90000048  }
0xbd: {  	_ =	sfence  }
0xbe: {  	s30 =	sld [smem:$0x0];
	_ =	sdelay $0x2  }
0xbf: {  	s31 =	sshll.u32 s1, $0xD;
	s1 =	sshrl.u32 s1, $0x2  }
0xc0: {  	s3 =	sand.u32 $0x4000, s31;
	s1 =	sadd.s32 s1, s30  }
0xc1: {  	s0 =	sor.u32 s3, s0;
	s1 =	sshll.u32 s1, $0x11  }
0xc2: {  	s0 =	sor.u32 s1, s0  }
0xc3: {  	s0 =	sadd.s32 $0x8F2B, s0  }
0xc4: {  	[sflag:s0] =	ssyncadd.remote.s32 $0x1  }
0xc5: {  	_ =	sfence.sel $0xFFFF  }
0xc6: {  	[dreg:$0x0] =	wrdreg $0xFFFFFFFF;
	(pc) =	sbr.abs _section_cstart, $3  }
0xc7: {  	[dreg:$0x1] =	wrdreg $0xFFFFFFFF  }
0xc8: {  	_ =	task.clear_ibuf [dreg:s8], $0x2FFFF;
	_ =	strace $0x9FFFFFFF  }
0xc9: {  	(tm) =	ssettm $0x7FFFFFFF  }
tec
execute0_lowered:
.L_overlay_start_1:
0x0: {  	(tag) =	ssettag $0x1  }
0x1: {  	s1 =	srdreg.scid;
	s0 =	stileid.u32  }
0x2: {  	s2 =	rddreg [dreg:$0x0];
	s16 =	sand.u32 $0x1, s1;
	s26 =	sshll.u32 s0, $0x1  }
0x3: {  	s15 =	rddreg [dreg:$0x1];
	s8 =	sor.u32 s16, s26  }
0x4: {  	s9 =	rddreg [dreg:$0x2];
	s18 =	smul.u32 $0x1388, s8  }
0x5: {  	s3 =	simm.s32 $0x0;
	s1 =	rddreg [dreg:$0x3]  }
0x6: {  	[smem:$0x7FF] =	sst s3;
	s4 =	sshrl.u32 s18, $0x3  }
0x7: {  	_ =	strace $0x80000047;
	s5 =	sadd.s32 s15, s4;
	s4 =	simm.s32 $0x2  }
0x8: {  	[tilespmem:s3], [sflag:$0x2] =	stream.linear.gather [hbm4b:s5+s3], $0x3E8, $0x38;
	[tilespmem:$0x80E8] =	vst v63  }
0x9: {  	_ =	swait.ge [sflag:s4], $0x3E8  }
0xa: {  	[sflag:s4] =	ssyncset.done $0x0  }
0xb: {  	s6 =	simm.s32 $0x3E8;
	s7 =	simm.s32 $0x1;
	[sflag:s4] =	ssyncadd.s32 $0xFFFFFC18  }
0xc: {  	[tilespmem:s6], [sflag:$0x1] =	stream.indirect.gather [hbm4b:s2+s6], $0x20, s3, s6, $0xb8;
	[tilespmem:$0x80E8] =	vst v63  }
0xd: {  	s8 =	smul.u32 $0x4E20, s8;
	_ =	swait.ge [sflag:s7], $0x7D00  }
0xe: {  	s17 =	sadd.s32 $0x2200, s9;
	[sflag:s7] =	ssyncset.done $0x0  }
0xf: {  	s8 =	sadd.s32 s17, s8;
	[sflag:s7] =	ssyncadd.s32 $0xFFFF8300  }
0x10: {  	[hbm4b:s8+s3] =	stream.linear.scatter [tilespmem:s6], [sflag:$0x2], $0x7D00, $0x38;
	[tilespmem:$0x80E8] =	vst v63  }
0x11: {  	s10 =	sadd.s32 $0x3E8, s18;
	_ =	swait.ge [sflag:s4], $0x7D00  }
0x12: {  	s28 =	sshrl.u32 s10, $0x3;
	[sflag:s4] =	ssyncset.done $0x0  }
0x13: {  	s9 =	sadd.s32 s15, s28;
	[sflag:s4] =	ssyncadd.s32 $0xFFFF8300  }
0x14: {  	[tilespmem:s3], [sflag:$0x2] =	stream.linear.gather [hbm4b:s9+s3], $0x3E8, $0x38;
	[tilespmem:$0x80E8] =	vst v63  }
0x15: {  	_ =	swait.ge [sflag:s4], $0x3E8  }
0x16: {  	[sflag:s4] =	ssyncset.done $0x0  }
0x17: {  	[sflag:s4] =	ssyncadd.s32 $0xFFFFFC18  }
0x18: {  	[tilespmem:s6], [sflag:$0x1] =	stream.indirect.gather [hbm4b:s2+s6], $0x20, s3, s6, $0xb8;
	[tilespmem:$0x80E8] =	vst v63  }
0x19: {  	_ =	swait.ge [sflag:s7], $0x7D00  }
0x1a: {  	s10 =	sshll.u32 s10, $0x2;
	[sflag:s7] =	ssyncset.done $0x0  }
0x1b: {  	s10 =	sadd.s32 s17, s10;
	[sflag:s7] =	ssyncadd.s32 $0xFFFF8300  }
0x1c: {  	[hbm4b:s10+s3] =	stream.linear.scatter [tilespmem:s6], [sflag:$0x2], $0x7D00, $0x38;
	[tilespmem:$0x80E8] =	vst v63  }
0x1d: {  	s12 =	sadd.s32 $0x7D0, s18;
	_ =	swait.ge [sflag:s4], $0x7D00  }
0x1e: {  	s11 =	sshrl.u32 s12, $0x3;
	[sflag:s4] =	ssyncset.done $0x0  }
0x1f: {  	s11 =	sadd.s32 s15, s11;
	[sflag:s4] =	ssyncadd.s32 $0xFFFF8300  }
0x20: {  	[tilespmem:s3], [sflag:$0x2] =	stream.linear.gather [hbm4b:s11+s3], $0x3E8, $0x38;
	[tilespmem:$0x80E8] =	vst v63  }
0x21: {  	_ =	swait.ge [sflag:s4], $0x3E8  }
0x22: {  	[sflag:s4] =	ssyncset.done $0x0  }
0x23: {  	[sflag:s4] =	ssyncadd.s32 $0xFFFFFC18  }
0x24: {  	[tilespmem:s6], [sflag:$0x1] =	stream.indirect.gather [hbm4b:s2+s6], $0x20, s3, s6, $0xb8;
	[tilespmem:$0x80E8] =	vst v63  }
0x25: {  	_ =	swait.ge [sflag:s7], $0x7D00  }
0x26: {  	s12 =	sshll.u32 s12, $0x2;
	[sflag:s7] =	ssyncset.done $0x0  }
0x27: {  	s12 =	sadd.s32 s17, s12;
	[sflag:s7] =	ssyncadd.s32 $0xFFFF8300  }
0x28: {  	[hbm4b:s12+s3] =	stream.linear.scatter [tilespmem:s6], [sflag:$0x2], $0x7D00, $0x38;
	[tilespmem:$0x80E8] =	vst v63  }
0x29: {  	s14 =	sadd.s32 $0xBB8, s18;
	_ =	swait.ge [sflag:s4], $0x7D00  }
0x2a: {  	s13 =	sshrl.u32 s14, $0x3;
	[sflag:s4] =	ssyncset.done $0x0  }
0x2b: {  	s13 =	sadd.s32 s15, s13;
	[sflag:s4] =	ssyncadd.s32 $0xFFFF8300  }
0x2c: {  	[tilespmem:s3], [sflag:$0x2] =	stream.linear.gather [hbm4b:s13+s3], $0x3E8, $0x38;
	[tilespmem:$0x80E8] =	vst v63  }
0x2d: {  	_ =	swait.ge [sflag:s4], $0x3E8  }
0x2e: {  	[sflag:s4] =	ssyncset.done $0x0  }
0x2f: {  	[sflag:s4] =	ssyncadd.s32 $0xFFFFFC18  }
0x30: {  	[tilespmem:s6], [sflag:$0x1] =	stream.indirect.gather [hbm4b:s2+s6], $0x20, s3, s6, $0xb8;
	[tilespmem:$0x80E8] =	vst v63  }
0x31: {  	_ =	swait.ge [sflag:s7], $0x7D00  }
0x32: {  	s14 =	sshll.u32 s14, $0x2;
	[sflag:s7] =	ssyncset.done $0x0  }
0x33: {  	s14 =	sadd.s32 s17, s14;
	[sflag:s7] =	ssyncadd.s32 $0xFFFF8300  }
0x34: {  	[hbm4b:s14+s3] =	stream.linear.scatter [tilespmem:s6], [sflag:$0x2], $0x7D00, $0x38;
	[tilespmem:$0x80E8] =	vst v63  }
0x35: {  	s18 =	sadd.s32 $0xFA0, s18;
	_ =	swait.ge [sflag:s4], $0x7D00  }
0x36: {  	s19 =	sshrl.u32 s18, $0x3;
	[sflag:s4] =	ssyncset.done $0x0  }
0x37: {  	s16 =	ssub.s32 $0x2, s16;
	s15 =	sadd.s32 s15, s19;
	[sflag:s4] =	ssyncadd.s32 $0xFFFF8300  }
0x38: {  	[tilespmem:s3], [sflag:$0x2] =	stream.linear.gather [hbm4b:s15+s3], $0x3E8, $0x38;
	[tilespmem:$0x80E8] =	vst v63  }
0x39: {  	s29 =	sshrl.u32 s16, $0x1;
	_ =	swait.ge [sflag:s4], $0x3E8  }
0x3a: {  	s19 =	ssub.s32 s16, s29;
	[sflag:s4] =	ssyncset.done $0x0  }
0x3b: {  	s31 =	smax.u32 s19, $0x1;
	[sflag:s4] =	ssyncadd.s32 $0xFFFFFC18  }
0x3c: {  	[tilespmem:s6], [sflag:$0x1] =	stream.indirect.gather [hbm4b:s2+s6], $0x20, s3, s6, $0xb8;
	[tilespmem:$0x80E8] =	vst v63  }
0x3d: {  	p0 =	sne.s32 s31, $0x1;
	_ =	swait.ge [sflag:s7], $0x7D00  }
.Ltmp0:
0x3e: {  	s30 =	sshll.u32 s18, $0x2;
	[sflag:s7] =	ssyncset.done $0x0;
	(pc) =	sbr.rel @!p0 .LBB2_2-.Ltmp0, $4  }
0x3f: {  	s16 =	sadd.s32 s17, s30;
	[sflag:s7] =	ssyncadd.s32 $0xFFFF8300  }
0x40: {  	[hbm4b:s16+s3] =	stream.linear.scatter [tilespmem:s6], [sflag:$0x2], $0x7D00, $0x38;
	[tilespmem:$0x80E8] =	vst v63  }
0x41: {  	_ =	swait.ge [sflag:s4], $0x7D00  }
0x42: {  	s17 =	sadd.s32 $0xFFFFFFFF, s31;
	[sflag:s4] =	ssyncset.done $0x0  }
.LBB2_1:
0x43: {  	p0 =	sne.s32 s17, $0x1;
	s17 =	sadd.s32 $0xFFFFFFFF, s17;
	[sflag:s4] =	ssyncadd.s32 $0xFFFF8300  }
0x44: {  	[tilespmem:s3], [sflag:$0x2] =	stream.linear.gather [hbm4b:s5+s3], $0x3E8, $0x38;
	[tilespmem:$0x80E8] =	vst v63  }
0x45: {  	_ =	swait.ge [sflag:s4], $0x3E8  }
0x46: {  	[sflag:s4] =	ssyncset.done $0x0  }
0x47: {  	[sflag:s4] =	ssyncadd.s32 $0xFFFFFC18  }
0x48: {  	[tilespmem:s6], [sflag:$0x1] =	stream.indirect.gather [hbm4b:s2+s6], $0x20, s3, s6, $0xb8;
	[tilespmem:$0x80E8] =	vst v63  }
0x49: {  	_ =	swait.ge [sflag:s7], $0x7D00  }
0x4a: {  	[sflag:s7] =	ssyncset.done $0x0  }
0x4b: {  	[sflag:s7] =	ssyncadd.s32 $0xFFFF8300  }
0x4c: {  	[hbm4b:s8+s3] =	stream.linear.scatter [tilespmem:s6], [sflag:$0x2], $0x7D00, $0x38;
	[tilespmem:$0x80E8] =	vst v63  }
0x4d: {  	_ =	swait.ge [sflag:s4], $0x7D00  }
0x4e: {  	[sflag:s4] =	ssyncset.done $0x0  }
0x4f: {  	[sflag:s4] =	ssyncadd.s32 $0xFFFF8300  }
0x50: {  	[tilespmem:s3], [sflag:$0x2] =	stream.linear.gather [hbm4b:s9+s3], $0x3E8, $0x38;
	[tilespmem:$0x80E8] =	vst v63  }
0x51: {  	_ =	swait.ge [sflag:s4], $0x3E8  }
0x52: {  	[sflag:s4] =	ssyncset.done $0x0  }
0x53: {  	[sflag:s4] =	ssyncadd.s32 $0xFFFFFC18  }
0x54: {  	[tilespmem:s6], [sflag:$0x1] =	stream.indirect.gather [hbm4b:s2+s6], $0x20, s3, s6, $0xb8;
	[tilespmem:$0x80E8] =	vst v63  }
0x55: {  	_ =	swait.ge [sflag:s7], $0x7D00  }
0x56: {  	[sflag:s7] =	ssyncset.done $0x0  }
0x57: {  	[sflag:s7] =	ssyncadd.s32 $0xFFFF8300  }
0x58: {  	[hbm4b:s10+s3] =	stream.linear.scatter [tilespmem:s6], [sflag:$0x2], $0x7D00, $0x38;
	[tilespmem:$0x80E8] =	vst v63  }
0x59: {  	_ =	swait.ge [sflag:s4], $0x7D00  }
0x5a: {  	[sflag:s4] =	ssyncset.done $0x0  }
0x5b: {  	[sflag:s4] =	ssyncadd.s32 $0xFFFF8300  }
0x5c: {  	[tilespmem:s3], [sflag:$0x2] =	stream.linear.gather [hbm4b:s11+s3], $0x3E8, $0x38;
	[tilespmem:$0x80E8] =	vst v63  }
0x5d: {  	_ =	swait.ge [sflag:s4], $0x3E8  }
0x5e: {  	[sflag:s4] =	ssyncset.done $0x0  }
0x5f: {  	[sflag:s4] =	ssyncadd.s32 $0xFFFFFC18  }
0x60: {  	[tilespmem:s6], [sflag:$0x1] =	stream.indirect.gather [hbm4b:s2+s6], $0x20, s3, s6, $0xb8;
	[tilespmem:$0x80E8] =	vst v63  }
0x61: {  	_ =	swait.ge [sflag:s7], $0x7D00  }
0x62: {  	[sflag:s7] =	ssyncset.done $0x0  }
0x63: {  	[sflag:s7] =	ssyncadd.s32 $0xFFFF8300  }
0x64: {  	[hbm4b:s12+s3] =	stream.linear.scatter [tilespmem:s6], [sflag:$0x2], $0x7D00, $0x38;
	[tilespmem:$0x80E8] =	vst v63  }
0x65: {  	_ =	swait.ge [sflag:s4], $0x7D00  }
0x66: {  	[sflag:s4] =	ssyncset.done $0x0  }
0x67: {  	[sflag:s4] =	ssyncadd.s32 $0xFFFF8300  }
0x68: {  	[tilespmem:s3], [sflag:$0x2] =	stream.linear.gather [hbm4b:s13+s3], $0x3E8, $0x38;
	[tilespmem:$0x80E8] =	vst v63  }
0x69: {  	_ =	swait.ge [sflag:s4], $0x3E8  }
0x6a: {  	[sflag:s4] =	ssyncset.done $0x0  }
0x6b: {  	[sflag:s4] =	ssyncadd.s32 $0xFFFFFC18  }
0x6c: {  	[tilespmem:s6], [sflag:$0x1] =	stream.indirect.gather [hbm4b:s2+s6], $0x20, s3, s6, $0xb8;
	[tilespmem:$0x80E8] =	vst v63  }
0x6d: {  	_ =	swait.ge [sflag:s7], $0x7D00  }
0x6e: {  	[sflag:s7] =	ssyncset.done $0x0  }
0x6f: {  	[sflag:s7] =	ssyncadd.s32 $0xFFFF8300  }
0x70: {  	[hbm4b:s14+s3] =	stream.linear.scatter [tilespmem:s6], [sflag:$0x2], $0x7D00, $0x38;
	[tilespmem:$0x80E8] =	vst v63  }
0x71: {  	_ =	swait.ge [sflag:s4], $0x7D00  }
0x72: {  	[sflag:s4] =	ssyncset.done $0x0  }
0x73: {  	[sflag:s4] =	ssyncadd.s32 $0xFFFF8300  }
0x74: {  	[tilespmem:s3], [sflag:$0x2] =	stream.linear.gather [hbm4b:s15+s3], $0x3E8, $0x38;
	[tilespmem:$0x80E8] =	vst v63  }
0x75: {  	_ =	swait.ge [sflag:s4], $0x3E8  }
0x76: {  	[sflag:s4] =	ssyncset.done $0x0  }
0x77: {  	[sflag:s4] =	ssyncadd.s32 $0xFFFFFC18  }
0x78: {  	[tilespmem:s6], [sflag:$0x1] =	stream.indirect.gather [hbm4b:s2+s6], $0x20, s3, s6, $0xb8;
	[tilespmem:$0x80E8] =	vst v63  }
0x79: {  	_ =	swait.ge [sflag:s7], $0x7D00  }
.Ltmp1:
0x7a: {  	[sflag:s7] =	ssyncset.done $0x0;
	(pc) =	sbr.rel @p0 .LBB2_1-.Ltmp1, $4  }
0x7b: {  	[sflag:s7] =	ssyncadd.s32 $0xFFFF8300  }
0x7c: {  	[hbm4b:s16+s3] =	stream.linear.scatter [tilespmem:s6], [sflag:$0x2], $0x7D00, $0x38;
	[tilespmem:$0x80E8] =	vst v63  }
0x7d: {  	_ =	swait.ge [sflag:s4], $0x7D00  }
0x7e: {  	[sflag:s4] =	ssyncset.done $0x0  }
.LBB2_2:
0x7f: {  	[sflag:s4] =	ssyncadd.s32 $0xFFFF8300  }
0x80: {  	_ =	sfence.sel $0x180000  }
0x81: {  	[bflag:$0x0] =	sbarrier.arrive $0xFFFF  }
0x82: {  	p0 =	sne.s32 s0, $0x0;
	_ =	strace $0x90000047  }
0x83: {  	s0 =	sadd.s32 @!p0 $0x100000, s1;
	[bflag:$0x2] =	sbarrier.arrive $0xFFFF  }
0x84: {  	[sflag:s0] =	ssyncadd.tile.s32 @!p0 $0x1;
	_ =	shalt  }
.Lfunc_end2:
_tile_overlayer_lowered:
.L_overlay_start_2:
0x85: {  	(tag) =	ssettag $0x2  }
0x86: {  	s0 =	rddreg [dreg:$0x0];
	s2 =	stileid.u32  }
0x87: {  	s1 =	rddreg [dreg:$0x1];
	p0 =	sne.s32 s2, $0x0  }
0x88: {  	s3 =	rddreg [dreg:$0x2];
	[bflag:$0x3] =	sbarrier.arrive $0xFFFF;
	s2 =	simm.s32 @!p0 $0x1C02  }
0x89: {  	[timem:s3], [sflag:s2] =	dma.local @!p0 [hbm:s0], s1  }
0x8a: {  	s0 =	simm.s32 @!p0 $0x2  }
0x8b: {  	_ =	swait.ge @!p0 [sflag:s0], s1  }
0x8c: {  	s1 =	ssub.s32 @!p0 $0x0, s1;
	[sflag:s0] =	ssyncset.done @!p0 $0x0  }
0x8d: {  	[sflag:s0] =	ssyncadd.s32 @!p0 s1  }
0x8e: {  	[bflag:$0x3] =	sbarrier.arrive $0xFFFF  }
0x8f: {  	_ =	shalt  }

// kernel: kernel.9.cloned.1.call-start
scs
__scs_entry_jumppad:
0x0: {  	(pc) =	sbr.rel $0x88, $3  }
0x1: {  	(tag) =	ssettag $0x0;
	lr =	simm.s32 $0x1  }
0x2: {  	[smem:$0x3F98] =	sst lr;
	_ =	strace $0xD0000000  }
0x3: {  	_ = 	snop  }
0x4: {  	_ = 	snop  }
0x5: {  	_ = 	snop  }
0x6: {  	_ = 	snop  }
0x7: {  	_ = 	snop  }
__scs_overlays_trampoline_lowered:
0x8: {  	[smem:$0x3FA7] =	sst s0  }
0x9: {  	[smem:$0x3FA8] =	sst s1  }
0xa: {  	[smem:$0x3FA9] =	sst s2  }
0xb: {  	[smem:$0x3FAA] =	sst s3  }
0xc: {  	[smem:$0x3FAB] =	sst s4  }
0xd: {  	[smem:$0x3FAC] =	sst s5  }
0xe: {  	[smem:$0x3FAD] =	sst s6  }
0xf: {  	[smem:$0x3FAE] =	sst s7  }
0x10: {  	[smem:$0x3FAF] =	sst s8  }
0x11: {  	[smem:$0x3FB0] =	sst s9;
	s0 =	simm.s32 @!p0 $0x0  }
0x12: {  	s1 =	sld [smem:$0x3F96];
	s0 =	simm.s32 @p0 $0x1  }
0x13: {  	[smem:$0x3FB1] =	sst s0;
	s0 =	simm.s32 @!p1 $0x0  }
0x14: {  	s2 =	sld [smem:$0x3F95];
	s0 =	simm.s32 @p1 $0x1  }
0x15: {  	[smem:$0x3FB2] =	sst s0;
	s0 =	simm.s32 @!p2 $0x0  }
0x16: {  	s3 =	sld [smem:$0x3FDB];
	s0 =	simm.s32 @p2 $0x1  }
0x17: {  	s4 =	simm.s32 $0x1BF5;
	[smem:$0x3FB4] =	sst s0  }
0x18: {  	s0 =	sld [smem:$0x3F97];
	_ =	swait.ge [sflag:s4], $0x0  }
0x19: {  	s7 =	sld [smem:$0x3F98]  }
0x1a: {  	s8 =	sadd.s32 $0xFFFFE003, lr  }
0x1b: {  	s9 =	sadd.s32 $0xFFFFFEF7, lr;
	s5 =	simm.s32 $0xFFFFFFFF;
	p2 =	slt.u32 s8, $0xFFFFF086  }
0x1c: {  	p1 =	slt.u32 s9, $0xF7A;
	s5 =	simm.s32 @!p2 $0x0  }
0x1d: {  	s5 =	simm.s32 @p1 $0x1;
	p0 =	seq.s32 s7, s2  }
0x1e: {  	s7 =	smul.u32 @!p0 $0xF7A, s2;
	p2 =	seq.s32 @!p0 s5, $0x0  }
0x1f: {  	s9 =	smul.u32 $0xF7A, s1;
	s8 =	simm.s32 @!p0 $0x1BF5;
	p2 =	por !p2, p0  }
0x20: {  	[sflag:s8] =	ssyncset.s32 @!p0 $0xFFFFF086;
	s6 =	sadd.s32 @!p0 s3, s7;
	s7 =	simm.s32 @!p0 $0x108  }
0x21: {  	s3 =	sadd.s32 s3, s9;
	s6 =	sadd.s32 @!p0 $0x88, s6;
	s7 =	simm.s32 @p2 $0x1082  }
0x22: {  	[simem:s7], [sflag:s8] =	dma.local @!p0 [hbm:s6], $0xF7A  }
0x23: {  	s9 =	sor.u32 $0xD0000000, s2;
	s6 =	simm.s32 $0x108;
	_ =	swait.ge @!p0 [sflag:s8], $0x0  }
0x24: {  	s3 =	sadd.s32 $0x88, s3;
	s6 =	simm.s32 @!p1 $0x1082;
	[sflag:s4] =	ssyncset.s32 $0xFFFFF086  }
0x25: {  	[simem:s6], [sflag:s4] =	dma.local [hbm:s3], $0xF7A  }
0x26: {  	[smem:$0x3F98] =	sst s1;
	(tag) =	ssettag s2;
	_ =	strace s9  }
0x27: {  	s1 =	sld [smem:$0x3FA8]  }
0x28: {  	s2 =	sld [smem:$0x3FA9]  }
0x29: {  	s4 =	sld [smem:$0x3FAB]  }
0x2a: {  	p0 =	seq.s32 s5, $0x0;
	s5 =	sld [smem:$0x3FAC]  }
0x2b: {  	s6 =	sld [smem:$0x3FAD]  }
0x2c: {  	s7 =	sld [smem:$0x3FAE]  }
0x2d: {  	s3 =	simm.s32 $0x108;
	s8 =	sld [smem:$0x3FAF]  }
0x2e: {  	s3 =	simm.s32 @!p0 $0x1082;
	s9 =	sld [smem:$0x3FB0]  }
0x2f: {  	lr =	sadd.s32 s0, s3;
	s0 =	sld [smem:$0x3FA7]  }
0x30: {  	s3 =	sld [smem:$0x3FAA]  }
0x31: {  	[smem:$0x3FB3] =	sst s10  }
0x32: {  	s10 =	sld [smem:$0x3FB1];
	_ =	sdelay $0x3  }
0x33: {  	p0 =	seq.s32 s10, $0x1;
	s10 =	sld [smem:$0x3FB3];
	_ =	sdelay $0x3  }
0x34: {  	[smem:$0x3FB3] =	sst s10  }
0x35: {  	s10 =	sld [smem:$0x3FB2];
	_ =	sdelay $0x3  }
0x36: {  	p1 =	seq.s32 s10, $0x1;
	s10 =	sld [smem:$0x3FB3];
	_ =	sdelay $0x3  }
0x37: {  	[smem:$0x3FB3] =	sst s10  }
0x38: {  	s10 =	sld [smem:$0x3FB4]  }
0x39: {  	_ = 	snop;
	(pc) =	sbr.ind lr, $3  }
0x3a: {  	_ = 	snop  }
0x3b: {  	_ = 	snop  }
0x3c: {  	p2 =	seq.s32 s10, $0x1;
	s10 =	sld [smem:$0x3FB3]  }
0x3d: {  	_ =	shalt  }
0x3e: {  	_ =	shalt  }
0x3f: {  	_ =	shalt  }
0x40: {  	_ =	shalt  }
0x41: {  	_ =	shalt  }
0x42: {  	_ =	shalt  }
0x43: {  	_ =	shalt  }
0x44: {  	_ =	shalt  }
0x45: {  	_ =	shalt  }
0x46: {  	_ =	shalt  }
0x47: {  	_ =	shalt  }
0x48: {  	_ =	shalt  }
0x49: {  	_ =	shalt  }
0x4a: {  	_ =	shalt  }
0x4b: {  	_ =	shalt  }
0x4c: {  	_ =	shalt  }
0x4d: {  	_ =	shalt  }
0x4e: {  	_ =	shalt  }
0x4f: {  	_ =	shalt  }
0x50: {  	_ =	shalt  }
0x51: {  	_ =	shalt  }
0x52: {  	_ =	shalt  }
0x53: {  	_ =	shalt  }
0x54: {  	_ =	shalt  }
0x55: {  	_ =	shalt  }
0x56: {  	_ =	shalt  }
0x57: {  	_ =	shalt  }
0x58: {  	_ =	shalt  }
0x59: {  	_ =	shalt  }
0x5a: {  	_ =	shalt  }
0x5b: {  	_ =	shalt  }
0x5c: {  	_ =	shalt  }
0x5d: {  	_ =	shalt  }
0x5e: {  	_ =	shalt  }
0x5f: {  	_ =	shalt  }
0x60: {  	_ =	shalt  }
0x61: {  	_ =	shalt  }
0x62: {  	_ =	shalt  }
0x63: {  	_ =	shalt  }
0x64: {  	_ =	shalt  }
0x65: {  	_ =	shalt  }
0x66: {  	_ =	shalt  }
0x67: {  	_ =	shalt  }
0x68: {  	_ =	shalt  }
0x69: {  	_ =	shalt  }
0x6a: {  	_ =	shalt  }
0x6b: {  	_ =	shalt  }
0x6c: {  	_ =	shalt  }
0x6d: {  	_ =	shalt  }
0x6e: {  	_ =	shalt  }
0x6f: {  	_ =	shalt  }
0x70: {  	_ =	shalt  }
0x71: {  	_ =	shalt  }
0x72: {  	_ =	shalt  }
0x73: {  	_ =	shalt  }
0x74: {  	_ =	shalt  }
0x75: {  	_ =	shalt  }
0x76: {  	_ =	shalt  }
0x77: {  	_ =	shalt  }
0x78: {  	_ =	shalt  }
0x79: {  	_ =	shalt  }
0x7a: {  	_ =	shalt  }
0x7b: {  	_ =	shalt  }
0x7c: {  	_ =	shalt  }
0x7d: {  	_ =	shalt  }
0x7e: {  	_ =	shalt  }
0x7f: {  	_ =	shalt  }
0x80: {  	_ =	shalt  }
0x81: {  	_ =	shalt  }
0x82: {  	_ =	shalt  }
0x83: {  	_ =	shalt  }
0x84: {  	_ =	shalt  }
0x85: {  	_ =	shalt  }
0x86: {  	_ =	shalt  }
0x87: {  	_ =	shalt  }
.Lfunc_end0:
.L_simem_size_0:
called_computation.1_lowered:
.L_overlay_start_0:
0x88: {  	s2 =	sld [smem:$0x3FD9]  }
0x89: {  	s3 =	sld [smem:$0x3FFE];
	_ =	sdelay $0x1  }
0x8a: {  	s1 =	srdreg.scid  }
0x8b: {  	s0 =	sand.u32 $0x1, s1  }
0x8c: {  	s14 =	sshll.u32 s0, $0xA;
	s2 =	sadd.s32 s3, s2  }
0x8d: {  	s2 =	sadd.s32 s2, s14  }
0x8e: {  	[smem:$0x3FBF] =	sst s2  }
0x8f: {  	_ = 	snop  }
0x90: {  	s2 =	sld [smem:$0x3FD0];
	_ =	sdelay $0x2  }
0x91: {  	s15 =	simm.s32 $0xA;
	s4 =	simm.s32 $0x10  }
0x92: {  	[smem:s4], [sflag:s15] =	dma.local [hbm:s2], $0x1  }
0x93: {  	_ =	swait.eq [sflag:s15], $0x1  }
0x94: {  	s16 =	sld [smem:$0x10];
	[sflag:s15] =	ssyncset.done $0x0  }
0x95: {  	s17 =	sld [smem:$0x11];
	[sflag:s15] =	ssyncadd.s32 $0xFFFFFFFF  }
0x96: {  	s18 =	sld [smem:$0x12];
	(tm) =	ssettm $0x1  }
0x97: {  	s5 =	sld [smem:$0x3FFB];
	_ =	sdelay $0x3  }
0x98: {  	_ =	strace s5  }
0x99: {  	s5 =	sld [smem:$0x3FFC];
	_ =	sdelay $0x3  }
0x9a: {  	_ =	strace s5  }
0x9b: {  	s5 =	sld [smem:$0x3FFD];
	_ =	sdelay $0x3  }
0x9c: {  	_ =	strace s5  }
0x9d: {  	_ =	strace $0x8FFFFFFF  }
0x9e: {  	s19 =	sld [smem:$0x3FDB];
	_ =	sdelay $0x1  }
0x9f: {  	s6 =	simm.s32 $_scs_section_size  }
0xa0: {  	s7 =	simm.s32 $_size__tile_overlayer_lowered;
	s8 =	simm.s32 $_tile_overlayer_lowered  }
0xa1: {  	s22 =	simm.s32 $0x1BFF;
	s21 =	sshll.u32 s8, $0x1;
	s5 =	sadd.s32 s6, s19  }
0xa2: {  	s9 =	simm.s32 $0x0;
	s20 =	sshll.u32 s7, $0x1;
	s7 =	sadd.s32 s21, s5  }
0xa3: {  	[timem:s9], [sflag:s22] =	dma.local [hbm:s7], s20  }
0xa4: {  	_ =	swait.ge [sflag:s22], s20  }
0xa5: {  	s6 =	ssub.s32 $0x0, s20;
	[sflag:s22] =	ssyncset.done $0x0  }
0xa6: {  	[sflag:s22] =	ssyncadd.s32 s6;
	_ =	sdelay $0x1  }
0xa7: {  	s23 =	simm.s32 $0x1B8B  }
0xa8: {  	_ =	swait.ge [sflag:s23], $0x1  }
0xa9: {  	[sflag:s23] =	ssyncset.done $0x0  }
0xaa: {  	s25 =	simm.s32 $0x1B8E;
	s24 =	sld [smem:$0x3FFE];
	[sflag:s23] =	ssyncadd.s32 $0xFFFFFFFF  }
0xab: {  	s26 =	simm.s32 $execute0_lowered;
	[smem:$0x3FD2] =	sst s25  }
0xac: {  	s7 =	sshll.u32 s26, $0x1;
	_ =	strace $0x80000049;
	[dreg:$0x1] =	wrdreg $0xFFFFFFFF  }
0xad: {  	s28 =	simm.s32 $_size_execute0_lowered;
	s5 =	sadd.s32 s5, s7;
	[dreg:$0x0] =	wrdreg $0x0  }
0xae: {  	s7 =	sshll.u32 s28, $0x1;
	[dreg:$0x2] =	wrdreg s5  }
0xaf: {  	[dreg:$0x3] =	wrdreg s7  }
0xb0: {  	[dreg:$0x4] =	wrdreg $0xC0  }
0xb1: {  	_ =	task [dreg:s9], $0x5FFFF  }
0xb2: {  	[dreg:$0x1] =	wrdreg $0xFFFFFFFF  }
0xb3: {  	[dreg:$0x0] =	wrdreg $0x60  }
0xb4: {  	[dreg:$0x2] =	wrdreg s24  }
0xb5: {  	[dreg:$0x3] =	wrdreg s17  }
0xb6: {  	[dreg:$0x4] =	wrdreg s16  }
0xb7: {  	[dreg:$0x5] =	wrdreg s18  }
0xb8: {  	[dreg:$0x6] =	wrdreg $0xFDE80  }
0xb9: {  	[dreg:$0x7] =	wrdreg $0x14C080  }
0xba: {  	[dreg:$0x8] =	wrdreg $0x9  }
0xbb: {  	_ =	task.clear_ibuf [dreg:s9], $0x9FFFF;
	_ =	strace $0x90000049  }
0xbc: {  	s29 =	simm.s32 $0x9;
	_ =	strace $0x8000004B  }
0xbd: {  	_ =	swait.ge [sflag:s29], $0x1  }
0xbe: {  	[sflag:s29] =	ssyncadd.s32 $0xFFFFFFFF  }
0xbf: {  	_ =	strace $0x9000004B  }
0xc0: {  	_ =	sfence  }
0xc1: {  	s30 =	sld [smem:$0x0];
	_ =	sdelay $0x2  }
0xc2: {  	s31 =	sshll.u32 s1, $0xD;
	s1 =	sshrl.u32 s1, $0x2  }
0xc3: {  	s3 =	sand.u32 $0x4000, s31;
	s1 =	sadd.s32 s1, s30  }
0xc4: {  	s0 =	sor.u32 s3, s0;
	s1 =	sshll.u32 s1, $0x11  }
0xc5: {  	s0 =	sor.u32 s1, s0  }
0xc6: {  	s0 =	sadd.s32 $0x8F2B, s0  }
0xc7: {  	[sflag:s0] =	ssyncadd.remote.s32 $0x1  }
0xc8: {  	_ =	sfence.sel $0xFFFF  }
0xc9: {  	[dreg:$0x0] =	wrdreg $0xFFFFFFFF;
	(pc) =	sbr.abs _section_cstart, $3  }
0xca: {  	[dreg:$0x1] =	wrdreg $0xFFFFFFFF  }
0xcb: {  	_ =	task.clear_ibuf [dreg:s9], $0x2FFFF;
	_ =	strace $0x9FFFFFFF  }
0xcc: {  	(tm) =	ssettm $0x7FFFFFFF  }
0xcd: {  	_ =	shalt  }
tec
execute0_lowered:
.L_overlay_start_1:
0x0: {  	(tag) =	ssettag $0x1  }
0x1: {  	s7 =	rddreg [dreg:$0x0]  }
0x2: {  	s15 =	rddreg [dreg:$0x1]  }
0x3: {  	s1 =	rddreg [dreg:$0x2]  }
0x4: {  	s19 =	rddreg [dreg:$0x3]  }
0x5: {  	s2 =	rddreg [dreg:$0x4]  }
0x6: {  	s3 =	rddreg [dreg:$0x5]  }
0x7: {  	s6 =	srdreg.scid;
	s4 =	stileid.u32;
	s5 =	simm.s32 $0x0  }
0x8: {  	s28 =	simm.s32 $0x1;
	s30 =	simm.s32 $0x3E8;
	s31 =	simm.s32 $0x1C01  }
0x9: {  	s13 =	sand.u32 $0x1, s6;
	s23 =	sshll.u32 s4, $0x1;
	[smem:$0x7FF] =	sst s5  }
0xa: {  	s16 =	sadd.s32 $0x9E600, s7;
	s6 =	sadd.s32 $0x2200, s7;
	s20 =	sadd.s32 $0x3200, s7  }
0xb: {  	s22 =	smul.u32 $0x5000, s4;
	p0 =	seq.s32 s4, $0xF;
	s8 =	sor.u32 s13, s23  }
0xc: {  	p2 =	seq.s32 s4, $0x1;
	s9 =	ssub.s32 $0x2, s13;
	s14 =	smul.u32 $0x1388, s8  }
0xd: {  	p1 =	sne.s32 s4, $0x0;
	s10 =	sshrl.u32 s9, $0x1;
	s8 =	smul.u32 $0x4E20, s8  }
0xe: {  	_ =	strace $0x8000004A;
	s23 =	smul.u32 $0x4E200, s13;
	s21 =	ssub.s32 s9, s10  }
0xf: {  	s11 =	sshrl.u32 s14, $0x3;
	s8 =	sadd.s32 s16, s8;
	s24 =	sadd.s32 $0x3E8, s14  }
0x10: {  	s12 =	sadd.s32 $0x7D0, s14;
	s29 =	sadd.s32 $0xBB8, s14;
	s0 =	sadd.s32 $0xFA0, s14  }
0x11: {  	s21 =	smax.u32 s21, $0x1;
	s7 =	sadd.s32 s15, s11;
	s25 =	sshrl.u32 s24, $0x3  }
0x12: {  	s26 =	sshll.u32 s24, $0x2;
	s17 =	sshrl.u32 s12, $0x3;
	s12 =	sshll.u32 s12, $0x2  }
0x13: {  	s18 =	sshrl.u32 s29, $0x3;
	s24 =	sadd.s32 s22, s23;
	s23 =	sshrl.u32 s23, $0x3  }
0x14: {  	s9 =	sadd.s32 s15, s25;
	s10 =	sadd.s32 s16, s26;
	s11 =	sadd.s32 s15, s17  }
0x15: {  	s12 =	sadd.s32 s16, s12;
	s13 =	sadd.s32 s15, s18;
	s17 =	sshll.u32 s29, $0x2  }
0x16: {  	s25 =	sshrl.u32 s0, $0x3;
	s26 =	sshll.u32 s0, $0x2;
	s29 =	sshrl.u32 s24, $0x3  }
0x17: {  	s24 =	sadd.s32 s22, s2;
	s23 =	sadd.s32 $0x9600, s23;
	s14 =	sadd.s32 s16, s17  }
.Ltmp0:
0x18: {  	s15 =	sadd.s32 s15, s25;
	s16 =	sadd.s32 s16, s26;
	(pc) =	sbr.rel .LBB2_1-.Ltmp0, $4  }
0x19: {  	s17 =	sadd.s32 s19, s29;
	s18 =	sadd.s32 s20, s29;
	s25 =	sadd.s32 s22, s3  }
0x1a: {  	s19 =	sadd.s32 s19, s23;
	s22 =	sadd.s32 $0x4B000, s2;
	s20 =	sadd.s32 s20, s23  }
0x1b: {  	s23 =	sadd.s32 $0x4B000, s3;
	s24 =	sshrl.u32 @!p0 s24, $0x3;
	s26 =	simm.s32 $0x80E8  }
0x1c: {  	s22 =	sshrl.u32 @p0 s22, $0x3;
	s23 =	sshrl.u32 @p0 s23, $0x3;
	s25 =	sshrl.u32 @!p0 s25, $0x3  }
.LBB2_4:
0x1d: {  	s0 =	sshrl.u32 s3, $0x3;
	s29 =	simm.s32 $0x1C41  }
0x1e: {  	[spmem:s0], [sflag:s29] =	dma.local [hbm:s1], $0x9C40  }
.LBB2_5:
0x1f: {  	_ =	swait.ge [sflag:s28], $0x9C40  }
0x20: {  	[sflag:s28] =	ssyncset.done $0x0  }
0x21: {  	[sflag:s28] =	ssyncadd.s32 $0xFFFF63C0  }
.LBB2_6:
0x22: {  	[bflag:$0x0] =	sbarrier.arrive $0xFFFF  }
0x23: {  	[tilespmem:s5], [sflag:$0x1] =	stream.linear.gather [hbm4b:s7+s5], $0x3E8, $0x38;
	[tilespmem:$0x19A28] =	vst v63  }
0x24: {  	_ =	swait.ge [sflag:s28], $0x3E8  }
0x25: {  	[sflag:s28] =	ssyncset.done $0x0  }
0x26: {  	[sflag:s28] =	ssyncadd.s32 $0xFFFFFC18  }
0x27: {  	[tilespmem:s30], [sflag:$0x1] =	stream.linear.gather [hbm4b:s8+s5], $0x7D00, $0x38;
	[tilespmem:$0x19A28] =	vst v63  }
0x28: {  	_ =	swait.ge [sflag:s28], $0x7D00  }
0x29: {  	[sflag:s28] =	ssyncset.done $0x0  }
0x2a: {  	[sflag:s28] =	ssyncadd.s32 $0xFFFF8300  }
0x2b: {  	[spmem:s2] =	stream.indirect.scatter.add.f32 [tilespmem:s30], [sflag:$0x1], $0x20, s5, s30, $0xb8;
	[tilespmem:$0x19A28] =	vst v63  }
0x2c: {  	_ =	swait.ge [sflag:s28], $0x7D00  }
0x2d: {  	[sflag:s28] =	ssyncset.done $0x0  }
0x2e: {  	[sflag:s28] =	ssyncadd.s32 $0xFFFF8300  }
0x2f: {  	[spmem:s3] =	stream.indirect.scatter.add.f32 [tilespmem:s26], [sflag:$0x1], $0x20, s5, s30, $0xb8;
	[tilespmem:$0x19A28] =	vst v63  }
0x30: {  	_ =	swait.ge [sflag:s28], $0x7D00  }
0x31: {  	[sflag:s28] =	ssyncset.done $0x0  }
0x32: {  	[sflag:s28] =	ssyncadd.s32 $0xFFFF8300  }
0x33: {  	[tilespmem:s5], [sflag:$0x1] =	stream.linear.gather [hbm4b:s9+s5], $0x3E8, $0x38;
	[tilespmem:$0x19A28] =	vst v63  }
0x34: {  	_ =	swait.ge [sflag:s28], $0x3E8  }
0x35: {  	[sflag:s28] =	ssyncset.done $0x0  }
0x36: {  	[sflag:s28] =	ssyncadd.s32 $0xFFFFFC18  }
0x37: {  	[tilespmem:s30], [sflag:$0x1] =	stream.linear.gather [hbm4b:s10+s5], $0x7D00, $0x38;
	[tilespmem:$0x19A28] =	vst v63  }
0x38: {  	_ =	swait.ge [sflag:s28], $0x7D00  }
0x39: {  	[sflag:s28] =	ssyncset.done $0x0  }
0x3a: {  	[sflag:s28] =	ssyncadd.s32 $0xFFFF8300  }
0x3b: {  	[spmem:s2] =	stream.indirect.scatter.add.f32 [tilespmem:s30], [sflag:$0x1], $0x20, s5, s30, $0xb8;
	[tilespmem:$0x19A28] =	vst v63  }
0x3c: {  	_ =	swait.ge [sflag:s28], $0x7D00  }
0x3d: {  	[sflag:s28] =	ssyncset.done $0x0  }
0x3e: {  	[sflag:s28] =	ssyncadd.s32 $0xFFFF8300  }
0x3f: {  	[spmem:s3] =	stream.indirect.scatter.add.f32 [tilespmem:s26], [sflag:$0x1], $0x20, s5, s30, $0xb8;
	[tilespmem:$0x19A28] =	vst v63  }
0x40: {  	_ =	swait.ge [sflag:s28], $0x7D00  }
0x41: {  	[sflag:s28] =	ssyncset.done $0x0  }
0x42: {  	[sflag:s28] =	ssyncadd.s32 $0xFFFF8300  }
0x43: {  	[tilespmem:s5], [sflag:$0x1] =	stream.linear.gather [hbm4b:s11+s5], $0x3E8, $0x38;
	[tilespmem:$0x19A28] =	vst v63  }
0x44: {  	_ =	swait.ge [sflag:s28], $0x3E8  }
0x45: {  	[sflag:s28] =	ssyncset.done $0x0  }
0x46: {  	[sflag:s28] =	ssyncadd.s32 $0xFFFFFC18  }
0x47: {  	[tilespmem:s30], [sflag:$0x1] =	stream.linear.gather [hbm4b:s12+s5], $0x7D00, $0x38;
	[tilespmem:$0x19A28] =	vst v63  }
0x48: {  	_ =	swait.ge [sflag:s28], $0x7D00  }
0x49: {  	[sflag:s28] =	ssyncset.done $0x0  }
0x4a: {  	[sflag:s28] =	ssyncadd.s32 $0xFFFF8300  }
0x4b: {  	[spmem:s2] =	stream.indirect.scatter.add.f32 [tilespmem:s30], [sflag:$0x1], $0x20, s5, s30, $0xb8;
	[tilespmem:$0x19A28] =	vst v63  }
0x4c: {  	_ =	swait.ge [sflag:s28], $0x7D00  }
0x4d: {  	[sflag:s28] =	ssyncset.done $0x0  }
0x4e: {  	[sflag:s28] =	ssyncadd.s32 $0xFFFF8300  }
0x4f: {  	[spmem:s3] =	stream.indirect.scatter.add.f32 [tilespmem:s26], [sflag:$0x1], $0x20, s5, s30, $0xb8;
	[tilespmem:$0x19A28] =	vst v63  }
0x50: {  	_ =	swait.ge [sflag:s28], $0x7D00  }
0x51: {  	[sflag:s28] =	ssyncset.done $0x0  }
0x52: {  	[sflag:s28] =	ssyncadd.s32 $0xFFFF8300  }
0x53: {  	[tilespmem:s5], [sflag:$0x1] =	stream.linear.gather [hbm4b:s13+s5], $0x3E8, $0x38;
	[tilespmem:$0x19A28] =	vst v63  }
0x54: {  	_ =	swait.ge [sflag:s28], $0x3E8  }
0x55: {  	[sflag:s28] =	ssyncset.done $0x0  }
0x56: {  	[sflag:s28] =	ssyncadd.s32 $0xFFFFFC18  }
0x57: {  	[tilespmem:s30], [sflag:$0x1] =	stream.linear.gather [hbm4b:s14+s5], $0x7D00, $0x38;
	[tilespmem:$0x19A28] =	vst v63  }
0x58: {  	_ =	swait.ge [sflag:s28], $0x7D00  }
0x59: {  	[sflag:s28] =	ssyncset.done $0x0  }
0x5a: {  	[sflag:s28] =	ssyncadd.s32 $0xFFFF8300  }
0x5b: {  	[spmem:s2] =	stream.indirect.scatter.add.f32 [tilespmem:s30], [sflag:$0x1], $0x20, s5, s30, $0xb8;
	[tilespmem:$0x19A28] =	vst v63  }
0x5c: {  	_ =	swait.ge [sflag:s28], $0x7D00  }
0x5d: {  	[sflag:s28] =	ssyncset.done $0x0  }
0x5e: {  	[sflag:s28] =	ssyncadd.s32 $0xFFFF8300  }
0x5f: {  	[spmem:s3] =	stream.indirect.scatter.add.f32 [tilespmem:s26], [sflag:$0x1], $0x20, s5, s30, $0xb8;
	[tilespmem:$0x19A28] =	vst v63  }
0x60: {  	_ =	swait.ge [sflag:s28], $0x7D00  }
0x61: {  	[sflag:s28] =	ssyncset.done $0x0  }
0x62: {  	[sflag:s28] =	ssyncadd.s32 $0xFFFF8300  }
0x63: {  	[tilespmem:s5], [sflag:$0x1] =	stream.linear.gather [hbm4b:s15+s5], $0x3E8, $0x38;
	[tilespmem:$0x19A28] =	vst v63  }
0x64: {  	_ =	swait.ge [sflag:s28], $0x3E8  }
0x65: {  	[sflag:s28] =	ssyncset.done $0x0  }
0x66: {  	[sflag:s28] =	ssyncadd.s32 $0xFFFFFC18  }
0x67: {  	[tilespmem:s30], [sflag:$0x1] =	stream.linear.gather [hbm4b:s16+s5], $0x7D00, $0x38;
	[tilespmem:$0x19A28] =	vst v63  }
0x68: {  	_ =	swait.ge [sflag:s28], $0x7D00  }
0x69: {  	[sflag:s28] =	ssyncset.done $0x0  }
0x6a: {  	[sflag:s28] =	ssyncadd.s32 $0xFFFF8300  }
0x6b: {  	[spmem:s2] =	stream.indirect.scatter.add.f32 [tilespmem:s30], [sflag:$0x1], $0x20, s5, s30, $0xb8;
	[tilespmem:$0x19A28] =	vst v63  }
0x6c: {  	_ =	swait.ge [sflag:s28], $0x7D00  }
0x6d: {  	[sflag:s28] =	ssyncset.done $0x0  }
0x6e: {  	[sflag:s28] =	ssyncadd.s32 $0xFFFF8300  }
0x6f: {  	[spmem:s3] =	stream.indirect.scatter.add.f32 [tilespmem:s26], [sflag:$0x1], $0x20, s5, s30, $0xb8;
	[tilespmem:$0x19A28] =	vst v63  }
0x70: {  	_ =	swait.ge [sflag:s28], $0x7D00  }
0x71: {  	[sflag:s28] =	ssyncset.done $0x0  }
0x72: {  	[sflag:s28] =	ssyncadd.s32 $0xFFFF8300  }
0x73: {  	s0 =	simm.s32 @p0 $0x1FC1;
	s29 =	simm.s32 @p0 $0x1;
	[bflag:$0x0] =	sbarrier.arrive $0xFFFF  }
0x74: {  	[hbm:s19], [sflag:s0] =	dma.local @p0 [spmem:s22], $0x640  }
0x75: {  	_ =	swait.ge @p0 [sflag:s29], $0x640  }
0x76: {  	[sflag:s29] =	ssyncset.done @p0 $0x0  }
0x77: {  	[sflag:s29] =	ssyncadd.s32 @p0 $0xFFFFF9C0  }
0x78: {  	[hbm:s20], [sflag:s0] =	dma.local @p0 [spmem:s23], $0x640  }
0x79: {  	_ =	swait.ge @p0 [sflag:s29], $0x640  }
0x7a: {  	s0 =	sshll.u32 @!p0 s4, $0x6;
	[sflag:s29] =	ssyncset.done @p0 $0x0  }
0x7b: {  	s0 =	sor.u32 @!p0 $0x1C01, s0;
	[sflag:s29] =	ssyncadd.s32 @p0 $0xFFFFF9C0;
	s29 =	simm.s32 @!p0 $0x1  }
0x7c: {  	[hbm:s17], [sflag:s0] =	dma.local @!p0 [spmem:s24], $0xA00  }
0x7d: {  	s21 =	sadd.s32 $0xFFFFFFFF, s21;
	_ =	swait.ge @!p0 [sflag:s29], $0xA00  }
0x7e: {  	p3 =	sne.s32 s21, $0x0;
	[sflag:s29] =	ssyncset.done @!p0 $0x0  }
.Ltmp1:
0x7f: {  	[sflag:s29] =	ssyncadd.s32 @!p0 $0xFFFFF600;
	(pc) =	sbr.rel @!p3 .LBB2_7-.Ltmp1, $4  }
0x80: {  	[hbm:s18], [sflag:s0] =	dma.local @!p0 [spmem:s25], $0xA00  }
0x81: {  	_ =	swait.ge @!p0 [sflag:s29], $0xA00  }
0x82: {  	[sflag:s29] =	ssyncset.done @!p0 $0x0  }
0x83: {  	[sflag:s29] =	ssyncadd.s32 @!p0 $0xFFFFF600  }
.LBB2_1:
.Ltmp2:
0x84: {  	(pc) =	sbr.rel @p2 .LBB2_4-.Ltmp2, $4  }
0x85: {  	[tilespmem:s26], [sflag:$0x1] =	stream.linear.gather [hbm4b:s6+s5], $0x7D00, $0x38;
	[tilespmem:$0x19A28] =	vst v63  }
0x86: {  	_ =	swait.ge [sflag:s28], $0x7D00  }
0x87: {  	[sflag:s28] =	ssyncset.done $0x0  }
0x88: {  	[sflag:s28] =	ssyncadd.s32 $0xFFFF8300  }
.Ltmp3:
0x89: {  	(pc) =	sbr.rel @p1 .LBB2_6-.Ltmp3, $1  }
0x8a: {  	_ =	sdelay $0x3  }
.Ltmp4:
0x8b: {  	(pc) =	sbr.rel .LBB2_5-.Ltmp4, $3  }
0x8c: {  	_ =	sdelay $0x1  }
0x8d: {  	s0 =	sshrl.u32 s2, $0x3  }
0x8e: {  	[spmem:s0], [sflag:s31] =	dma.local [hbm:s1], $0x9C40  }
.LBB2_7:
0x8f: {  	_ =	sfence.sel $0x180000  }
0x90: {  	[bflag:$0x0] =	sbarrier.arrive $0xFFFF  }
0x91: {  	_ =	strace $0x9000004A  }
0x92: {  	[bflag:$0x2] =	sbarrier.arrive $0xFFFF  }
0x93: {  	s0 =	rddreg [dreg:$0x6]  }
0x94: {  	s0 =	sadd.s32 @!p1 $0x100000, s0  }
0x95: {  	[sflag:s0] =	ssyncadd.tile.s32 @!p1 $0x1;
	_ =	shalt  }
.Lfunc_end2:
_tile_overlayer_lowered:
.L_overlay_start_2:
0x96: {  	(tag) =	ssettag $0x2  }
0x97: {  	s0 =	rddreg [dreg:$0x0];
	s2 =	stileid.u32  }
0x98: {  	s1 =	rddreg [dreg:$0x1];
	p0 =	sne.s32 s2, $0x0  }
0x99: {  	s3 =	rddreg [dreg:$0x2];
	[bflag:$0x3] =	sbarrier.arrive $0xFFFF;
	s2 =	simm.s32 @!p0 $0x1C01  }
0x9a: {  	[timem:s3], [sflag:s2] =	dma.local @!p0 [hbm:s0], s1  }
0x9b: {  	s0 =	simm.s32 @!p0 $0x1  }
0x9c: {  	_ =	swait.ge @!p0 [sflag:s0], s1  }
0x9d: {  	s1 =	ssub.s32 @!p0 $0x0, s1;
	[sflag:s0] =	ssyncset.done @!p0 $0x0  }
0x9e: {  	[sflag:s0] =	ssyncadd.s32 @!p0 s1  }
0x9f: {  	[bflag:$0x3] =	sbarrier.arrive $0xFFFF  }
0xa0: {  	_ =	shalt  }

</sc_bundles>
